<compile_context>
chip_gen: v7x
topology: tpu7x:2x2x1
jax: 0.10.2.dev20260603
libtpu: 0.0.44.dev20260713+nightly
codegen_flags: <defaults>
</compile_context>

<pallas_src>
import functools

import jax
import jax.numpy as jnp
from jax import lax
from jax.experimental import pallas as pl
from jax.experimental.pallas import tpu as pltpu
from jax.experimental.pallas import tpu_sc as plsc

NC = 2
NS = 16
NW = NC * NS
IDXW = 128
CHUNK = 256
SUBC = CHUNK // IDXW
NBUF = 4


@functools.lru_cache(maxsize=None)
def _build_gather(R, V, D):
    assert R % (NW * CHUNK * NBUF) == 0
    b_per_w = R // NW
    nchunk = b_per_w // CHUNK
    ngroup = nchunk // NBUF
    r_per_w = b_per_w // IDXW

    mesh = plsc.VectorSubcoreMesh(core_axis_name="c", subcore_axis_name="s")

    @functools.partial(
        pl.kernel,
        out_type=jax.ShapeDtypeStruct((R, 2 * D), jnp.float32),
        mesh=mesh,
        scratch_types=[
            pltpu.VMEM((r_per_w, IDXW), jnp.int32),
            pltpu.VMEM((NBUF, CHUNK, D), jnp.float32),
            [pltpu.SemaphoreType.DMA] * NBUF,
            [pltpu.SemaphoreType.DMA] * NBUF,
        ],
        compiler_params=pltpu.CompilerParams(
            use_tc_tiling_on_sc=False,
            disable_bounds_checks=True,
            disable_semaphore_checks=True,
            skip_device_barrier=True,
        ),
    )
    def gather_kernel(table, idx2d, out, idx_v, rows_v, sg, ss):
        wid = lax.axis_index("s") * NC + lax.axis_index("c")
        base = wid * b_per_w
        rbase = wid * r_per_w

        pltpu.sync_copy(idx2d.at[pl.ds(rbase, r_per_w)], idx_v)

        def gathers(s, b):
            for kk in range(SUBC):
                yield (
                    table.at[idx_v.at[s * SUBC + kk]],
                    rows_v.at[b, pl.ds(kk * IDXW, IDXW)],
                    sg[b],
                )

        def issue(s, b):
            for args in gathers(s, b):
                pltpu.async_copy(*args)

        def store_args(s, b):
            return (
                rows_v.at[b],
                out.at[pl.ds(pl.multiple_of(base + s * CHUNK, CHUNK), CHUNK),
                       pl.ds(0, D)],
                ss[b],
            )

        def drain(s, b):
            for args in gathers(s, b):
                pltpu.make_async_copy(*args).wait()
            pltpu.async_copy(*store_args(s, b))

        def wait_store(s, b):
            pltpu.make_async_copy(*store_args(s, b)).wait()

        issue(0, 0)
        issue(1, 1)
        issue(2, 2)
        drain(0, 0)
        issue(3, 3)
        drain(1, 1)

        def body(t, carry):
            for b in range(NBUF):
                s = t * NBUF + b
                wait_store(s - NBUF, b)
                issue(s, b)
                b2 = (b + 2) % NBUF
                drain(s - 2, b2)
            return carry

        lax.fori_loop(1, ngroup, body, None)

        drain(nchunk - 2, (nchunk - 2) % NBUF)
        drain(nchunk - 1, (nchunk - 1) % NBUF)
        for b in range(NBUF):
            wait_store(nchunk - NBUF + b, b)

    return gather_kernel


def kernel(weight, input):
    R = input.size
    V, D = weight.shape
    idx2d = input.reshape(R // IDXW, IDXW).astype(jnp.int32)
    out = _build_gather(R, V, D)(weight, idx2d)
    return out[:, :D].reshape(input.shape + (D,))

# --- scband reference (transcript-rebuilt; emitter-appended) ---
"""Pipeline reference for scband-qatembedding-73890617360930 (READ-ONLY COPY).

The authoritative reference and input builder live on the scoring server;
editing this copy changes nothing except your own understanding.
"""

import jax, jax.numpy as jnp
import numpy as np

NUM_EMBEDDINGS = 1000000
EMBEDDING_DIM = 64
BATCH = 16384
N_FIELDS = 26


def setup_inputs(seed: int = 0) -> dict:
    key = jax.random.key(seed)
    k_w, k_i = jax.random.split(key)
    # learned parameter: the embedding table (nn.Embedding weight)
    weight = jax.random.normal(k_w, (NUM_EMBEDDINGS, EMBEDDING_DIM), dtype=jnp.float32) * 0.02
    indices = jax.random.randint(k_i, (BATCH, N_FIELDS), 0, NUM_EMBEDDINGS, dtype=jnp.int64 if jax.config.jax_enable_x64 else jnp.int32)
    return {"weight": weight, "input": indices}


def reference(weight, input):
    # QATEmbedding.forward with qconfig=None: weight is used directly (no fake-quant),
    # lookup is a plain row gather: weight[input]
    return jnp.take(weight, input, axis=0)

if __name__ == "__main__":
    import jax
    _d = setup_inputs()
    print(jax.jit(kernel)(*tuple(_d.values())))

</pallas_src>

<mosaic_0001>
#map = affine_map<(d0, d1) -> (0, 0)>
module attributes {stable_mosaic.version = 14 : i64} {
  func.func @gather_kernel(%arg0: i32, %arg1: i32, %arg2: memref<1000000x64xf32, #tpu.memory_space<hbm>>, %arg3: memref<3328x128xi32, #tpu.memory_space<hbm>>, %arg4: memref<425984x128xf32, #tpu.memory_space<hbm>>, %arg5: memref<104x128xi32, #tpu.memory_space<vmem>>, %arg6: memref<4x256x64xf32, #tpu.memory_space<vmem>>, %arg7: memref<!tpu.dma_semaphore, #tpu.memory_space<semaphore_mem>>, %arg8: memref<!tpu.dma_semaphore, #tpu.memory_space<semaphore_mem>>, %arg9: memref<!tpu.dma_semaphore, #tpu.memory_space<semaphore_mem>>, %arg10: memref<!tpu.dma_semaphore, #tpu.memory_space<semaphore_mem>>, %arg11: memref<!tpu.dma_semaphore, #tpu.memory_space<semaphore_mem>>, %arg12: memref<!tpu.dma_semaphore, #tpu.memory_space<semaphore_mem>>, %arg13: memref<!tpu.dma_semaphore, #tpu.memory_space<semaphore_mem>>, %arg14: memref<!tpu.dma_semaphore, #tpu.memory_space<semaphore_mem>>) attributes {dimension_semantics = [#tpu.dimension_semantics<core_parallel>, #tpu.dimension_semantics<subcore_parallel>], iteration_bounds = array<i64: 2, 16>, scalar_prefetch = 0 : i64, scratch_operands = 10 : i64, tpu.core_type = #tpu.core_type<sc_vector_subcore>, window_params = [{transform_indices = #map}, {transform_indices = #map}, {transform_indices = #map}]} {
    %mul3A = arith.constant 2 : i32
    %mul3A_0 = arith.muli %arg1, %mul3A : i32
    %add3A = arith.addi %mul3A_0, %arg0 : i32
    %mul3A_1 = arith.constant 13312 : i32
    %mul3A_2 = arith.muli %add3A, %mul3A_1 : i32
    %mul3A_3 = arith.constant 104 : i32
    %mul3A_4 = arith.muli %add3A, %mul3A_3 : i32
    "tpu.region"() ({
      %run_scoped3A = tpu.sem_alloc : memref<!tpu.dma_semaphore, #tpu.memory_space<semaphore_mem>>
      %dma_start3A_326 = arith.constant 0 : i32
      %dma_start3A_327 = tpu.memref_slice %arg3[%mul3A_4, %dma_start3A_326] : memref<3328x128xi32, #tpu.memory_space<hbm>> -> memref<104x128xi32, #tpu.memory_space<hbm>>
      %dma_start3A_328 = arith.constant 0 : i32
      %dma_start3A_329 = tpu.memref_slice %arg3[%mul3A_4, %dma_start3A_328] : memref<3328x128xi32, #tpu.memory_space<hbm>> -> memref<104x128xi32, #tpu.memory_space<hbm>>
      tpu.enqueue_dma source(%dma_start3A_329 : memref<104x128xi32, #tpu.memory_space<hbm>>) target(%arg5 : memref<104x128xi32, #tpu.memory_space<vmem>>) target_semaphore(%run_scoped3A : memref<!tpu.dma_semaphore, #tpu.memory_space<semaphore_mem>>)
      %dma_wait3A_330 = arith.constant 0 : i32
      %dma_wait3A_331 = tpu.memref_slice %arg3[%mul3A_4, %dma_wait3A_330] : memref<3328x128xi32, #tpu.memory_space<hbm>> -> memref<104x128xi32, #tpu.memory_space<hbm>>
      %dma_wait3A_332 = arith.constant 0 : i32
      %dma_wait3A_333 = tpu.memref_slice %arg3[%mul3A_4, %dma_wait3A_332] : memref<3328x128xi32, #tpu.memory_space<hbm>> -> memref<104x128xi32, #tpu.memory_space<hbm>>
      tpu.wait_dma2 semaphore(%run_scoped3A : memref<!tpu.dma_semaphore, #tpu.memory_space<semaphore_mem>>) src(%dma_wait3A_333 : memref<104x128xi32, #tpu.memory_space<hbm>>) dst(%arg5 : memref<104x128xi32, #tpu.memory_space<vmem>>)
      tpu.yield
    }) : () -> ()
    %dma_start3A = arith.constant 0 : i32
    %dma_start3A_5 = arith.constant 0 : i32
    %dma_start3A_6 = arith.constant 0 : i32
    %dma_start3A_7 = arith.constant 0 : i32
    %dma_start3A_8 = tpu.memref_slice %arg6[%dma_start3A_5, %dma_start3A_6, %dma_start3A_7] : memref<4x256x64xf32, #tpu.memory_space<vmem>> -> memref<1x128x64xf32, #tpu.memory_space<vmem>>
    %dma_start3A_9 = tpu.memref_squeeze %dma_start3A_8 : memref<1x128x64xf32, #tpu.memory_space<vmem>> -> memref<128x64xf32, #tpu.memory_space<vmem>>
    %dma_start3A_10 = arith.constant 0 : i32
    %dma_start3A_11 = tpu.memref_slice %arg5[%dma_start3A, %dma_start3A_10] : memref<104x128xi32, #tpu.memory_space<vmem>> -> memref<1x128xi32, #tpu.memory_space<vmem>>
    %dma_start3A_12 = tpu.memref_squeeze %dma_start3A_11 : memref<1x128xi32, #tpu.memory_space<vmem>> -> memref<128xi32, #tpu.memory_space<vmem>>
    %dma_start3A_13 = arith.constant 0 : i32
    %dma_start3A_14 = arith.constant 0 : i32
    %dma_start3A_15 = tpu.memref_slice %arg2[%dma_start3A_13, %dma_start3A_14] : memref<1000000x64xf32, #tpu.memory_space<hbm>> -> memref<1000000x64xf32, #tpu.memory_space<hbm>>
    tpu.enqueue_indirect_dma source(%dma_start3A_15 : memref<1000000x64xf32, #tpu.memory_space<hbm>>) target(%dma_start3A_9 : memref<128x64xf32, #tpu.memory_space<vmem>>) offsets(%dma_start3A_12 : memref<128xi32, #tpu.memory_space<vmem>>) semaphore(%arg7 : memref<!tpu.dma_semaphore, #tpu.memory_space<semaphore_mem>>)
    %dma_start3A_16 = arith.constant 1 : i32
    %dma_start3A_17 = arith.constant 0 : i32
    %dma_start3A_18 = arith.constant 128 : i32
    %dma_start3A_19 = arith.constant 0 : i32
    %dma_start3A_20 = tpu.memref_slice %arg6[%dma_start3A_17, %dma_start3A_18, %dma_start3A_19] : memref<4x256x64xf32, #tpu.memory_space<vmem>> -> memref<1x128x64xf32, #tpu.memory_space<vmem>>
    %dma_start3A_21 = tpu.memref_squeeze %dma_start3A_20 : memref<1x128x64xf32, #tpu.memory_space<vmem>> -> memref<128x64xf32, #tpu.memory_space<vmem>>
    %dma_start3A_22 = arith.constant 0 : i32
    %dma_start3A_23 = tpu.memref_slice %arg5[%dma_start3A_16, %dma_start3A_22] : memref<104x128xi32, #tpu.memory_space<vmem>> -> memref<1x128xi32, #tpu.memory_space<vmem>>
    %dma_start3A_24 = tpu.memref_squeeze %dma_start3A_23 : memref<1x128xi32, #tpu.memory_space<vmem>> -> memref<128xi32, #tpu.memory_space<vmem>>
    %dma_start3A_25 = arith.constant 0 : i32
    %dma_start3A_26 = arith.constant 0 : i32
    %dma_start3A_27 = tpu.memref_slice %arg2[%dma_start3A_25, %dma_start3A_26] : memref<1000000x64xf32, #tpu.memory_space<hbm>> -> memref<1000000x64xf32, #tpu.memory_space<hbm>>
    tpu.enqueue_indirect_dma source(%dma_start3A_27 : memref<1000000x64xf32, #tpu.memory_space<hbm>>) target(%dma_start3A_21 : memref<128x64xf32, #tpu.memory_space<vmem>>) offsets(%dma_start3A_24 : memref<128xi32, #tpu.memory_space<vmem>>) semaphore(%arg7 : memref<!tpu.dma_semaphore, #tpu.memory_space<semaphore_mem>>)
    %dma_start3A_28 = arith.constant 2 : i32
    %dma_start3A_29 = arith.constant 1 : i32
    %dma_start3A_30 = arith.constant 0 : i32
    %dma_start3A_31 = arith.constant 0 : i32
    %dma_start3A_32 = tpu.memref_slice %arg6[%dma_start3A_29, %dma_start3A_30, %dma_start3A_31] : memref<4x256x64xf32, #tpu.memory_space<vmem>> -> memref<1x128x64xf32, #tpu.memory_space<vmem>>
    %dma_start3A_33 = tpu.memref_squeeze %dma_start3A_32 : memref<1x128x64xf32, #tpu.memory_space<vmem>> -> memref<128x64xf32, #tpu.memory_space<vmem>>
    %dma_start3A_34 = arith.constant 0 : i32
    %dma_start3A_35 = tpu.memref_slice %arg5[%dma_start3A_28, %dma_start3A_34] : memref<104x128xi32, #tpu.memory_space<vmem>> -> memref<1x128xi32, #tpu.memory_space<vmem>>
    %dma_start3A_36 = tpu.memref_squeeze %dma_start3A_35 : memref<1x128xi32, #tpu.memory_space<vmem>> -> memref<128xi32, #tpu.memory_space<vmem>>
    %dma_start3A_37 = arith.constant 0 : i32
    %dma_start3A_38 = arith.constant 0 : i32
    %dma_start3A_39 = tpu.memref_slice %arg2[%dma_start3A_37, %dma_start3A_38] : memref<1000000x64xf32, #tpu.memory_space<hbm>> -> memref<1000000x64xf32, #tpu.memory_space<hbm>>
    tpu.enqueue_indirect_dma source(%dma_start3A_39 : memref<1000000x64xf32, #tpu.memory_space<hbm>>) target(%dma_start3A_33 : memref<128x64xf32, #tpu.memory_space<vmem>>) offsets(%dma_start3A_36 : memref<128xi32, #tpu.memory_space<vmem>>) semaphore(%arg8 : memref<!tpu.dma_semaphore, #tpu.memory_space<semaphore_mem>>)
    %dma_start3A_40 = arith.constant 3 : i32
    %dma_start3A_41 = arith.constant 1 : i32
    %dma_start3A_42 = arith.constant 128 : i32
    %dma_start3A_43 = arith.constant 0 : i32
    %dma_start3A_44 = tpu.memref_slice %arg6[%dma_start3A_41, %dma_start3A_42, %dma_start3A_43] : memref<4x256x64xf32, #tpu.memory_space<vmem>> -> memref<1x128x64xf32, #tpu.memory_space<vmem>>
    %dma_start3A_45 = tpu.memref_squeeze %dma_start3A_44 : memref<1x128x64xf32, #tpu.memory_space<vmem>> -> memref<128x64xf32, #tpu.memory_space<vmem>>
    %dma_start3A_46 = arith.constant 0 : i32
    %dma_start3A_47 = tpu.memref_slice %arg5[%dma_start3A_40, %dma_start3A_46] : memref<104x128xi32, #tpu.memory_space<vmem>> -> memref<1x128xi32, #tpu.memory_space<vmem>>
    %dma_start3A_48 = tpu.memref_squeeze %dma_start3A_47 : memref<1x128xi32, #tpu.memory_space<vmem>> -> memref<128xi32, #tpu.memory_space<vmem>>
    %dma_start3A_49 = arith.constant 0 : i32
    %dma_start3A_50 = arith.constant 0 : i32
    %dma_start3A_51 = tpu.memref_slice %arg2[%dma_start3A_49, %dma_start3A_50] : memref<1000000x64xf32, #tpu.memory_space<hbm>> -> memref<1000000x64xf32, #tpu.memory_space<hbm>>
    tpu.enqueue_indirect_dma source(%dma_start3A_51 : memref<1000000x64xf32, #tpu.memory_space<hbm>>) target(%dma_start3A_45 : memref<128x64xf32, #tpu.memory_space<vmem>>) offsets(%dma_start3A_48 : memref<128xi32, #tpu.memory_space<vmem>>) semaphore(%arg8 : memref<!tpu.dma_semaphore, #tpu.memory_space<semaphore_mem>>)
    %dma_start3A_52 = arith.constant 4 : i32
    %dma_start3A_53 = arith.constant 2 : i32
    %dma_start3A_54 = arith.constant 0 : i32
    %dma_start3A_55 = arith.constant 0 : i32
    %dma_start3A_56 = tpu.memref_slice %arg6[%dma_start3A_53, %dma_start3A_54, %dma_start3A_55] : memref<4x256x64xf32, #tpu.memory_space<vmem>> -> memref<1x128x64xf32, #tpu.memory_space<vmem>>
    %dma_start3A_57 = tpu.memref_squeeze %dma_start3A_56 : memref<1x128x64xf32, #tpu.memory_space<vmem>> -> memref<128x64xf32, #tpu.memory_space<vmem>>
    %dma_start3A_58 = arith.constant 0 : i32
    %dma_start3A_59 = tpu.memref_slice %arg5[%dma_start3A_52, %dma_start3A_58] : memref<104x128xi32, #tpu.memory_space<vmem>> -> memref<1x128xi32, #tpu.memory_space<vmem>>
    %dma_start3A_60 = tpu.memref_squeeze %dma_start3A_59 : memref<1x128xi32, #tpu.memory_space<vmem>> -> memref<128xi32, #tpu.memory_space<vmem>>
    %dma_start3A_61 = arith.constant 0 : i32
    %dma_start3A_62 = arith.constant 0 : i32
    %dma_start3A_63 = tpu.memref_slice %arg2[%dma_start3A_61, %dma_start3A_62] : memref<1000000x64xf32, #tpu.memory_space<hbm>> -> memref<1000000x64xf32, #tpu.memory_space<hbm>>
    tpu.enqueue_indirect_dma source(%dma_start3A_63 : memref<1000000x64xf32, #tpu.memory_space<hbm>>) target(%dma_start3A_57 : memref<128x64xf32, #tpu.memory_space<vmem>>) offsets(%dma_start3A_60 : memref<128xi32, #tpu.memory_space<vmem>>) semaphore(%arg9 : memref<!tpu.dma_semaphore, #tpu.memory_space<semaphore_mem>>)
    %dma_start3A_64 = arith.constant 5 : i32
    %dma_start3A_65 = arith.constant 2 : i32
    %dma_start3A_66 = arith.constant 128 : i32
    %dma_start3A_67 = arith.constant 0 : i32
    %dma_start3A_68 = tpu.memref_slice %arg6[%dma_start3A_65, %dma_start3A_66, %dma_start3A_67] : memref<4x256x64xf32, #tpu.memory_space<vmem>> -> memref<1x128x64xf32, #tpu.memory_space<vmem>>
    %dma_start3A_69 = tpu.memref_squeeze %dma_start3A_68 : memref<1x128x64xf32, #tpu.memory_space<vmem>> -> memref<128x64xf32, #tpu.memory_space<vmem>>
    %dma_start3A_70 = arith.constant 0 : i32
    %dma_start3A_71 = tpu.memref_slice %arg5[%dma_start3A_64, %dma_start3A_70] : memref<104x128xi32, #tpu.memory_space<vmem>> -> memref<1x128xi32, #tpu.memory_space<vmem>>
    %dma_start3A_72 = tpu.memref_squeeze %dma_start3A_71 : memref<1x128xi32, #tpu.memory_space<vmem>> -> memref<128xi32, #tpu.memory_space<vmem>>
    %dma_start3A_73 = arith.constant 0 : i32
    %dma_start3A_74 = arith.constant 0 : i32
    %dma_start3A_75 = tpu.memref_slice %arg2[%dma_start3A_73, %dma_start3A_74] : memref<1000000x64xf32, #tpu.memory_space<hbm>> -> memref<1000000x64xf32, #tpu.memory_space<hbm>>
    tpu.enqueue_indirect_dma source(%dma_start3A_75 : memref<1000000x64xf32, #tpu.memory_space<hbm>>) target(%dma_start3A_69 : memref<128x64xf32, #tpu.memory_space<vmem>>) offsets(%dma_start3A_72 : memref<128xi32, #tpu.memory_space<vmem>>) semaphore(%arg9 : memref<!tpu.dma_semaphore, #tpu.memory_space<semaphore_mem>>)
    %dma_wait3A = arith.constant 0 : i32
    %dma_wait3A_76 = arith.constant 0 : i32
    %dma_wait3A_77 = arith.constant 0 : i32
    %dma_wait3A_78 = arith.constant 0 : i32
    %dma_wait3A_79 = tpu.memref_slice %arg6[%dma_wait3A_76, %dma_wait3A_77, %dma_wait3A_78] : memref<4x256x64xf32, #tpu.memory_space<vmem>> -> memref<1x128x64xf32, #tpu.memory_space<vmem>>
    %dma_wait3A_80 = tpu.memref_squeeze %dma_wait3A_79 : memref<1x128x64xf32, #tpu.memory_space<vmem>> -> memref<128x64xf32, #tpu.memory_space<vmem>>
    %dma_wait3A_81 = arith.constant 0 : i32
    %dma_wait3A_82 = tpu.memref_slice %arg5[%dma_wait3A, %dma_wait3A_81] : memref<104x128xi32, #tpu.memory_space<vmem>> -> memref<1x128xi32, #tpu.memory_space<vmem>>
    %dma_wait3A_83 = tpu.memref_squeeze %dma_wait3A_82 : memref<1x128xi32, #tpu.memory_space<vmem>> -> memref<128xi32, #tpu.memory_space<vmem>>
    %dma_wait3A_84 = arith.constant 0 : i32
    %dma_wait3A_85 = arith.constant 0 : i32
    %dma_wait3A_86 = tpu.memref_slice %arg2[%dma_wait3A_84, %dma_wait3A_85] : memref<1000000x64xf32, #tpu.memory_space<hbm>> -> memref<1000000x64xf32, #tpu.memory_space<hbm>>
    tpu.wait_indirect_dma semaphore(%arg7 : memref<!tpu.dma_semaphore, #tpu.memory_space<semaphore_mem>>) src(%dma_wait3A_86 : memref<1000000x64xf32, #tpu.memory_space<hbm>>) dst(%dma_wait3A_80 : memref<128x64xf32, #tpu.memory_space<vmem>>)
    %dma_wait3A_87 = arith.constant 1 : i32
    %dma_wait3A_88 = arith.constant 0 : i32
    %dma_wait3A_89 = arith.constant 128 : i32
    %dma_wait3A_90 = arith.constant 0 : i32
    %dma_wait3A_91 = tpu.memref_slice %arg6[%dma_wait3A_88, %dma_wait3A_89, %dma_wait3A_90] : memref<4x256x64xf32, #tpu.memory_space<vmem>> -> memref<1x128x64xf32, #tpu.memory_space<vmem>>
    %dma_wait3A_92 = tpu.memref_squeeze %dma_wait3A_91 : memref<1x128x64xf32, #tpu.memory_space<vmem>> -> memref<128x64xf32, #tpu.memory_space<vmem>>
    %dma_wait3A_93 = arith.constant 0 : i32
    %dma_wait3A_94 = tpu.memref_slice %arg5[%dma_wait3A_87, %dma_wait3A_93] : memref<104x128xi32, #tpu.memory_space<vmem>> -> memref<1x128xi32, #tpu.memory_space<vmem>>
    %dma_wait3A_95 = tpu.memref_squeeze %dma_wait3A_94 : memref<1x128xi32, #tpu.memory_space<vmem>> -> memref<128xi32, #tpu.memory_space<vmem>>
    %dma_wait3A_96 = arith.constant 0 : i32
    %dma_wait3A_97 = arith.constant 0 : i32
    %dma_wait3A_98 = tpu.memref_slice %arg2[%dma_wait3A_96, %dma_wait3A_97] : memref<1000000x64xf32, #tpu.memory_space<hbm>> -> memref<1000000x64xf32, #tpu.memory_space<hbm>>
    tpu.wait_indirect_dma semaphore(%arg7 : memref<!tpu.dma_semaphore, #tpu.memory_space<semaphore_mem>>) src(%dma_wait3A_98 : memref<1000000x64xf32, #tpu.memory_space<hbm>>) dst(%dma_wait3A_92 : memref<128x64xf32, #tpu.memory_space<vmem>>)
    %add3A_99 = arith.constant 0 : i32
    %add3A_100 = arith.addi %mul3A_2, %add3A_99 : i32
    %multiple_of3A = tpu.assume_multiple %add3A_100, 256 : i32
    %dma_start3A_101 = arith.constant 0 : i32
    %dma_start3A_102 = arith.constant 0 : i32
    %dma_start3A_103 = arith.constant 0 : i32
    %dma_start3A_104 = tpu.memref_slice %arg6[%dma_start3A_101, %dma_start3A_102, %dma_start3A_103] : memref<4x256x64xf32, #tpu.memory_space<vmem>> -> memref<1x256x64xf32, #tpu.memory_space<vmem>>
    %dma_start3A_105 = tpu.memref_squeeze %dma_start3A_104 : memref<1x256x64xf32, #tpu.memory_space<vmem>> -> memref<256x64xf32, #tpu.memory_space<vmem>>
    %dma_start3A_106 = arith.constant 0 : i32
    %dma_start3A_107 = tpu.memref_slice %arg4[%multiple_of3A, %dma_start3A_106] : memref<425984x128xf32, #tpu.memory_space<hbm>> -> memref<256x64xf32, #tpu.memory_space<hbm>>
    %dma_start3A_108 = arith.constant 0 : i32
    %dma_start3A_109 = tpu.memref_slice %arg4[%multiple_of3A, %dma_start3A_108] : memref<425984x128xf32, #tpu.memory_space<hbm>> -> memref<256x64xf32, #tpu.memory_space<hbm>>
    %dma_start3A_110 = arith.constant 0 : i32
    %dma_start3A_111 = arith.constant 0 : i32
    %dma_start3A_112 = tpu.memref_slice %arg6[%dma_start3A_101, %dma_start3A_110, %dma_start3A_111] : memref<4x256x64xf32, #tpu.memory_space<vmem>> -> memref<1x256x64xf32, #tpu.memory_space<vmem>>
    %dma_start3A_113 = tpu.memref_squeeze %dma_start3A_112 : memref<1x256x64xf32, #tpu.memory_space<vmem>> -> memref<256x64xf32, #tpu.memory_space<vmem>>
    tpu.enqueue_dma source(%dma_start3A_113 : memref<256x64xf32, #tpu.memory_space<vmem>>) target(%dma_start3A_109 : memref<256x64xf32, #tpu.memory_space<hbm>>) target_semaphore(%arg11 : memref<!tpu.dma_semaphore, #tpu.memory_space<semaphore_mem>>)
    %dma_start3A_114 = arith.constant 6 : i32
    %dma_start3A_115 = arith.constant 3 : i32
    %dma_start3A_116 = arith.constant 0 : i32
    %dma_start3A_117 = arith.constant 0 : i32
    %dma_start3A_118 = tpu.memref_slice %arg6[%dma_start3A_115, %dma_start3A_116, %dma_start3A_117] : memref<4x256x64xf32, #tpu.memory_space<vmem>> -> memref<1x128x64xf32, #tpu.memory_space<vmem>>
    %dma_start3A_119 = tpu.memref_squeeze %dma_start3A_118 : memref<1x128x64xf32, #tpu.memory_space<vmem>> -> memref<128x64xf32, #tpu.memory_space<vmem>>
    %dma_start3A_120 = arith.constant 0 : i32
    %dma_start3A_121 = tpu.memref_slice %arg5[%dma_start3A_114, %dma_start3A_120] : memref<104x128xi32, #tpu.memory_space<vmem>> -> memref<1x128xi32, #tpu.memory_space<vmem>>
    %dma_start3A_122 = tpu.memref_squeeze %dma_start3A_121 : memref<1x128xi32, #tpu.memory_space<vmem>> -> memref<128xi32, #tpu.memory_space<vmem>>
    %dma_start3A_123 = arith.constant 0 : i32
    %dma_start3A_124 = arith.constant 0 : i32
    %dma_start3A_125 = tpu.memref_slice %arg2[%dma_start3A_123, %dma_start3A_124] : memref<1000000x64xf32, #tpu.memory_space<hbm>> -> memref<1000000x64xf32, #tpu.memory_space<hbm>>
    tpu.enqueue_indirect_dma source(%dma_start3A_125 : memref<1000000x64xf32, #tpu.memory_space<hbm>>) target(%dma_start3A_119 : memref<128x64xf32, #tpu.memory_space<vmem>>) offsets(%dma_start3A_122 : memref<128xi32, #tpu.memory_space<vmem>>) semaphore(%arg10 : memref<!tpu.dma_semaphore, #tpu.memory_space<semaphore_mem>>)
    %dma_start3A_126 = arith.constant 7 : i32
    %dma_start3A_127 = arith.constant 3 : i32
    %dma_start3A_128 = arith.constant 128 : i32
    %dma_start3A_129 = arith.constant 0 : i32
    %dma_start3A_130 = tpu.memref_slice %arg6[%dma_start3A_127, %dma_start3A_128, %dma_start3A_129] : memref<4x256x64xf32, #tpu.memory_space<vmem>> -> memref<1x128x64xf32, #tpu.memory_space<vmem>>
    %dma_start3A_131 = tpu.memref_squeeze %dma_start3A_130 : memref<1x128x64xf32, #tpu.memory_space<vmem>> -> memref<128x64xf32, #tpu.memory_space<vmem>>
    %dma_start3A_132 = arith.constant 0 : i32
    %dma_start3A_133 = tpu.memref_slice %arg5[%dma_start3A_126, %dma_start3A_132] : memref<104x128xi32, #tpu.memory_space<vmem>> -> memref<1x128xi32, #tpu.memory_space<vmem>>
    %dma_start3A_134 = tpu.memref_squeeze %dma_start3A_133 : memref<1x128xi32, #tpu.memory_space<vmem>> -> memref<128xi32, #tpu.memory_space<vmem>>
    %dma_start3A_135 = arith.constant 0 : i32
    %dma_start3A_136 = arith.constant 0 : i32
    %dma_start3A_137 = tpu.memref_slice %arg2[%dma_start3A_135, %dma_start3A_136] : memref<1000000x64xf32, #tpu.memory_space<hbm>> -> memref<1000000x64xf32, #tpu.memory_space<hbm>>
    tpu.enqueue_indirect_dma source(%dma_start3A_137 : memref<1000000x64xf32, #tpu.memory_space<hbm>>) target(%dma_start3A_131 : memref<128x64xf32, #tpu.memory_space<vmem>>) offsets(%dma_start3A_134 : memref<128xi32, #tpu.memory_space<vmem>>) semaphore(%arg10 : memref<!tpu.dma_semaphore, #tpu.memory_space<semaphore_mem>>)
    %dma_wait3A_138 = arith.constant 2 : i32
    %dma_wait3A_139 = arith.constant 1 : i32
    %dma_wait3A_140 = arith.constant 0 : i32
    %dma_wait3A_141 = arith.constant 0 : i32
    %dma_wait3A_142 = tpu.memref_slice %arg6[%dma_wait3A_139, %dma_wait3A_140, %dma_wait3A_141] : memref<4x256x64xf32, #tpu.memory_space<vmem>> -> memref<1x128x64xf32, #tpu.memory_space<vmem>>
    %dma_wait3A_143 = tpu.memref_squeeze %dma_wait3A_142 : memref<1x128x64xf32, #tpu.memory_space<vmem>> -> memref<128x64xf32, #tpu.memory_space<vmem>>
    %dma_wait3A_144 = arith.constant 0 : i32
    %dma_wait3A_145 = tpu.memref_slice %arg5[%dma_wait3A_138, %dma_wait3A_144] : memref<104x128xi32, #tpu.memory_space<vmem>> -> memref<1x128xi32, #tpu.memory_space<vmem>>
    %dma_wait3A_146 = tpu.memref_squeeze %dma_wait3A_145 : memref<1x128xi32, #tpu.memory_space<vmem>> -> memref<128xi32, #tpu.memory_space<vmem>>
    %dma_wait3A_147 = arith.constant 0 : i32
    %dma_wait3A_148 = arith.constant 0 : i32
    %dma_wait3A_149 = tpu.memref_slice %arg2[%dma_wait3A_147, %dma_wait3A_148] : memref<1000000x64xf32, #tpu.memory_space<hbm>> -> memref<1000000x64xf32, #tpu.memory_space<hbm>>
    tpu.wait_indirect_dma semaphore(%arg8 : memref<!tpu.dma_semaphore, #tpu.memory_space<semaphore_mem>>) src(%dma_wait3A_149 : memref<1000000x64xf32, #tpu.memory_space<hbm>>) dst(%dma_wait3A_143 : memref<128x64xf32, #tpu.memory_space<vmem>>)
    %dma_wait3A_150 = arith.constant 3 : i32
    %dma_wait3A_151 = arith.constant 1 : i32
    %dma_wait3A_152 = arith.constant 128 : i32
    %dma_wait3A_153 = arith.constant 0 : i32
    %dma_wait3A_154 = tpu.memref_slice %arg6[%dma_wait3A_151, %dma_wait3A_152, %dma_wait3A_153] : memref<4x256x64xf32, #tpu.memory_space<vmem>> -> memref<1x128x64xf32, #tpu.memory_space<vmem>>
    %dma_wait3A_155 = tpu.memref_squeeze %dma_wait3A_154 : memref<1x128x64xf32, #tpu.memory_space<vmem>> -> memref<128x64xf32, #tpu.memory_space<vmem>>
    %dma_wait3A_156 = arith.constant 0 : i32
    %dma_wait3A_157 = tpu.memref_slice %arg5[%dma_wait3A_150, %dma_wait3A_156] : memref<104x128xi32, #tpu.memory_space<vmem>> -> memref<1x128xi32, #tpu.memory_space<vmem>>
    %dma_wait3A_158 = tpu.memref_squeeze %dma_wait3A_157 : memref<1x128xi32, #tpu.memory_space<vmem>> -> memref<128xi32, #tpu.memory_space<vmem>>
    %dma_wait3A_159 = arith.constant 0 : i32
    %dma_wait3A_160 = arith.constant 0 : i32
    %dma_wait3A_161 = tpu.memref_slice %arg2[%dma_wait3A_159, %dma_wait3A_160] : memref<1000000x64xf32, #tpu.memory_space<hbm>> -> memref<1000000x64xf32, #tpu.memory_space<hbm>>
    tpu.wait_indirect_dma semaphore(%arg8 : memref<!tpu.dma_semaphore, #tpu.memory_space<semaphore_mem>>) src(%dma_wait3A_161 : memref<1000000x64xf32, #tpu.memory_space<hbm>>) dst(%dma_wait3A_155 : memref<128x64xf32, #tpu.memory_space<vmem>>)
    %add3A_162 = arith.constant 256 : i32
    %add3A_163 = arith.addi %mul3A_2, %add3A_162 : i32
    %multiple_of3A_164 = tpu.assume_multiple %add3A_163, 256 : i32
    %dma_start3A_165 = arith.constant 1 : i32
    %dma_start3A_166 = arith.constant 0 : i32
    %dma_start3A_167 = arith.constant 0 : i32
    %dma_start3A_168 = tpu.memref_slice %arg6[%dma_start3A_165, %dma_start3A_166, %dma_start3A_167] : memref<4x256x64xf32, #tpu.memory_space<vmem>> -> memref<1x256x64xf32, #tpu.memory_space<vmem>>
    %dma_start3A_169 = tpu.memref_squeeze %dma_start3A_168 : memref<1x256x64xf32, #tpu.memory_space<vmem>> -> memref<256x64xf32, #tpu.memory_space<vmem>>
    %dma_start3A_170 = arith.constant 0 : i32
    %dma_start3A_171 = tpu.memref_slice %arg4[%multiple_of3A_164, %dma_start3A_170] : memref<425984x128xf32, #tpu.memory_space<hbm>> -> memref<256x64xf32, #tpu.memory_space<hbm>>
    %dma_start3A_172 = arith.constant 0 : i32
    %dma_start3A_173 = tpu.memref_slice %arg4[%multiple_of3A_164, %dma_start3A_172] : memref<425984x128xf32, #tpu.memory_space<hbm>> -> memref<256x64xf32, #tpu.memory_space<hbm>>
    %dma_start3A_174 = arith.constant 0 : i32
    %dma_start3A_175 = arith.constant 0 : i32
    %dma_start3A_176 = tpu.memref_slice %arg6[%dma_start3A_165, %dma_start3A_174, %dma_start3A_175] : memref<4x256x64xf32, #tpu.memory_space<vmem>> -> memref<1x256x64xf32, #tpu.memory_space<vmem>>
    %dma_start3A_177 = tpu.memref_squeeze %dma_start3A_176 : memref<1x256x64xf32, #tpu.memory_space<vmem>> -> memref<256x64xf32, #tpu.memory_space<vmem>>
    tpu.enqueue_dma source(%dma_start3A_177 : memref<256x64xf32, #tpu.memory_space<vmem>>) target(%dma_start3A_173 : memref<256x64xf32, #tpu.memory_space<hbm>>) target_semaphore(%arg12 : memref<!tpu.dma_semaphore, #tpu.memory_space<semaphore_mem>>)
    %scan3A = arith.constant 1 : i32
    %scan3A_178 = arith.constant 12 : i32
    %scan3A_179 = arith.addi %scan3A, %scan3A_178 : i32
    %scan3A_180 = arith.constant 1 : i32
    scf.for %scan3A_326 = %scan3A to %scan3A_179 step %scan3A_180  : i32 {
      %mul3A_327 = arith.constant 4 : i32
      %mul3A_328 = arith.muli %scan3A_326, %mul3A_327 : i32
      %add3A_329 = arith.constant 0 : i32
      %add3A_330 = arith.addi %mul3A_328, %add3A_329 : i32
      %sub3A = arith.constant 4 : i32
      %sub3A_331 = arith.subi %add3A_330, %sub3A : i32
      %mul3A_332 = arith.constant 256 : i32
      %mul3A_333 = arith.muli %sub3A_331, %mul3A_332 : i32
      %add3A_334 = arith.addi %mul3A_2, %mul3A_333 : i32
      %multiple_of3A_335 = tpu.assume_multiple %add3A_334, 256 : i32
      %dma_wait3A_336 = arith.constant 0 : i32
      %dma_wait3A_337 = arith.constant 0 : i32
      %dma_wait3A_338 = arith.constant 0 : i32
      %dma_wait3A_339 = tpu.memref_slice %arg6[%dma_wait3A_336, %dma_wait3A_337, %dma_wait3A_338] : memref<4x256x64xf32, #tpu.memory_space<vmem>> -> memref<1x256x64xf32, #tpu.memory_space<vmem>>
      %dma_wait3A_340 = tpu.memref_squeeze %dma_wait3A_339 : memref<1x256x64xf32, #tpu.memory_space<vmem>> -> memref<256x64xf32, #tpu.memory_space<vmem>>
      %dma_wait3A_341 = arith.constant 0 : i32
      %dma_wait3A_342 = tpu.memref_slice %arg4[%multiple_of3A_335, %dma_wait3A_341] : memref<425984x128xf32, #tpu.memory_space<hbm>> -> memref<256x64xf32, #tpu.memory_space<hbm>>
      %dma_wait3A_343 = arith.constant 0 : i32
      %dma_wait3A_344 = tpu.memref_slice %arg4[%multiple_of3A_335, %dma_wait3A_343] : memref<425984x128xf32, #tpu.memory_space<hbm>> -> memref<256x64xf32, #tpu.memory_space<hbm>>
      %dma_wait3A_345 = arith.constant 0 : i32
      %dma_wait3A_346 = arith.constant 0 : i32
      %dma_wait3A_347 = tpu.memref_slice %arg6[%dma_wait3A_336, %dma_wait3A_345, %dma_wait3A_346] : memref<4x256x64xf32, #tpu.memory_space<vmem>> -> memref<1x256x64xf32, #tpu.memory_space<vmem>>
      %dma_wait3A_348 = tpu.memref_squeeze %dma_wait3A_347 : memref<1x256x64xf32, #tpu.memory_space<vmem>> -> memref<256x64xf32, #tpu.memory_space<vmem>>
      tpu.wait_dma2 semaphore(%arg11 : memref<!tpu.dma_semaphore, #tpu.memory_space<semaphore_mem>>) src(%dma_wait3A_348 : memref<256x64xf32, #tpu.memory_space<vmem>>) dst(%dma_wait3A_344 : memref<256x64xf32, #tpu.memory_space<hbm>>)
      %mul3A_349 = arith.constant 2 : i32
      %mul3A_350 = arith.muli %add3A_330, %mul3A_349 : i32
      %add3A_351 = arith.constant 0 : i32
      %add3A_352 = arith.addi %mul3A_350, %add3A_351 : i32
      %dma_start3A_353 = arith.constant 0 : i32
      %dma_start3A_354 = arith.constant 0 : i32
      %dma_start3A_355 = arith.constant 0 : i32
      %dma_start3A_356 = tpu.memref_slice %arg6[%dma_start3A_353, %dma_start3A_354, %dma_start3A_355] : memref<4x256x64xf32, #tpu.memory_space<vmem>> -> memref<1x128x64xf32, #tpu.memory_space<vmem>>
      %dma_start3A_357 = tpu.memref_squeeze %dma_start3A_356 : memref<1x128x64xf32, #tpu.memory_space<vmem>> -> memref<128x64xf32, #tpu.memory_space<vmem>>
      %dma_start3A_358 = arith.constant 0 : i32
      %dma_start3A_359 = tpu.memref_slice %arg5[%add3A_352, %dma_start3A_358] : memref<104x128xi32, #tpu.memory_space<vmem>> -> memref<1x128xi32, #tpu.memory_space<vmem>>
      %dma_start3A_360 = tpu.memref_squeeze %dma_start3A_359 : memref<1x128xi32, #tpu.memory_space<vmem>> -> memref<128xi32, #tpu.memory_space<vmem>>
      %dma_start3A_361 = arith.constant 0 : i32
      %dma_start3A_362 = arith.constant 0 : i32
      %dma_start3A_363 = tpu.memref_slice %arg2[%dma_start3A_361, %dma_start3A_362] : memref<1000000x64xf32, #tpu.memory_space<hbm>> -> memref<1000000x64xf32, #tpu.memory_space<hbm>>
      tpu.enqueue_indirect_dma source(%dma_start3A_363 : memref<1000000x64xf32, #tpu.memory_space<hbm>>) target(%dma_start3A_357 : memref<128x64xf32, #tpu.memory_space<vmem>>) offsets(%dma_start3A_360 : memref<128xi32, #tpu.memory_space<vmem>>) semaphore(%arg7 : memref<!tpu.dma_semaphore, #tpu.memory_space<semaphore_mem>>)
      %mul3A_364 = arith.constant 2 : i32
      %mul3A_365 = arith.muli %add3A_330, %mul3A_364 : i32
      %add3A_366 = arith.constant 1 : i32
      %add3A_367 = arith.addi %mul3A_365, %add3A_366 : i32
      %dma_start3A_368 = arith.constant 0 : i32
      %dma_start3A_369 = arith.constant 128 : i32
      %dma_start3A_370 = arith.constant 0 : i32
      %dma_start3A_371 = tpu.memref_slice %arg6[%dma_start3A_368, %dma_start3A_369, %dma_start3A_370] : memref<4x256x64xf32, #tpu.memory_space<vmem>> -> memref<1x128x64xf32, #tpu.memory_space<vmem>>
      %dma_start3A_372 = tpu.memref_squeeze %dma_start3A_371 : memref<1x128x64xf32, #tpu.memory_space<vmem>> -> memref<128x64xf32, #tpu.memory_space<vmem>>
      %dma_start3A_373 = arith.constant 0 : i32
      %dma_start3A_374 = tpu.memref_slice %arg5[%add3A_367, %dma_start3A_373] : memref<104x128xi32, #tpu.memory_space<vmem>> -> memref<1x128xi32, #tpu.memory_space<vmem>>
      %dma_start3A_375 = tpu.memref_squeeze %dma_start3A_374 : memref<1x128xi32, #tpu.memory_space<vmem>> -> memref<128xi32, #tpu.memory_space<vmem>>
      %dma_start3A_376 = arith.constant 0 : i32
      %dma_start3A_377 = arith.constant 0 : i32
      %dma_start3A_378 = tpu.memref_slice %arg2[%dma_start3A_376, %dma_start3A_377] : memref<1000000x64xf32, #tpu.memory_space<hbm>> -> memref<1000000x64xf32, #tpu.memory_space<hbm>>
      tpu.enqueue_indirect_dma source(%dma_start3A_378 : memref<1000000x64xf32, #tpu.memory_space<hbm>>) target(%dma_start3A_372 : memref<128x64xf32, #tpu.memory_space<vmem>>) offsets(%dma_start3A_375 : memref<128xi32, #tpu.memory_space<vmem>>) semaphore(%arg7 : memref<!tpu.dma_semaphore, #tpu.memory_space<semaphore_mem>>)
      %sub3A_379 = arith.constant 2 : i32
      %sub3A_380 = arith.subi %add3A_330, %sub3A_379 : i32
      %mul3A_381 = arith.constant 2 : i32
      %mul3A_382 = arith.muli %sub3A_380, %mul3A_381 : i32
      %add3A_383 = arith.constant 0 : i32
      %add3A_384 = arith.addi %mul3A_382, %add3A_383 : i32
      %dma_wait3A_385 = arith.constant 2 : i32
      %dma_wait3A_386 = arith.constant 0 : i32
      %dma_wait3A_387 = arith.constant 0 : i32
      %dma_wait3A_388 = tpu.memref_slice %arg6[%dma_wait3A_385, %dma_wait3A_386, %dma_wait3A_387] : memref<4x256x64xf32, #tpu.memory_space<vmem>> -> memref<1x128x64xf32, #tpu.memory_space<vmem>>
      %dma_wait3A_389 = tpu.memref_squeeze %dma_wait3A_388 : memref<1x128x64xf32, #tpu.memory_space<vmem>> -> memref<128x64xf32, #tpu.memory_space<vmem>>
      %dma_wait3A_390 = arith.constant 0 : i32
      %dma_wait3A_391 = tpu.memref_slice %arg5[%add3A_384, %dma_wait3A_390] : memref<104x128xi32, #tpu.memory_space<vmem>> -> memref<1x128xi32, #tpu.memory_space<vmem>>
      %dma_wait3A_392 = tpu.memref_squeeze %dma_wait3A_391 : memref<1x128xi32, #tpu.memory_space<vmem>> -> memref<128xi32, #tpu.memory_space<vmem>>
      %dma_wait3A_393 = arith.constant 0 : i32
      %dma_wait3A_394 = arith.constant 0 : i32
      %dma_wait3A_395 = tpu.memref_slice %arg2[%dma_wait3A_393, %dma_wait3A_394] : memref<1000000x64xf32, #tpu.memory_space<hbm>> -> memref<1000000x64xf32, #tpu.memory_space<hbm>>
      tpu.wait_indirect_dma semaphore(%arg9 : memref<!tpu.dma_semaphore, #tpu.memory_space<semaphore_mem>>) src(%dma_wait3A_395 : memref<1000000x64xf32, #tpu.memory_space<hbm>>) dst(%dma_wait3A_389 : memref<128x64xf32, #tpu.memory_space<vmem>>)
      %mul3A_396 = arith.constant 2 : i32
      %mul3A_397 = arith.muli %sub3A_380, %mul3A_396 : i32
      %add3A_398 = arith.constant 1 : i32
      %add3A_399 = arith.addi %mul3A_397, %add3A_398 : i32
      %dma_wait3A_400 = arith.constant 2 : i32
      %dma_wait3A_401 = arith.constant 128 : i32
      %dma_wait3A_402 = arith.constant 0 : i32
      %dma_wait3A_403 = tpu.memref_slice %arg6[%dma_wait3A_400, %dma_wait3A_401, %dma_wait3A_402] : memref<4x256x64xf32, #tpu.memory_space<vmem>> -> memref<1x128x64xf32, #tpu.memory_space<vmem>>
      %dma_wait3A_404 = tpu.memref_squeeze %dma_wait3A_403 : memref<1x128x64xf32, #tpu.memory_space<vmem>> -> memref<128x64xf32, #tpu.memory_space<vmem>>
      %dma_wait3A_405 = arith.constant 0 : i32
      %dma_wait3A_406 = tpu.memref_slice %arg5[%add3A_399, %dma_wait3A_405] : memref<104x128xi32, #tpu.memory_space<vmem>> -> memref<1x128xi32, #tpu.memory_space<vmem>>
      %dma_wait3A_407 = tpu.memref_squeeze %dma_wait3A_406 : memref<1x128xi32, #tpu.memory_space<vmem>> -> memref<128xi32, #tpu.memory_space<vmem>>
      %dma_wait3A_408 = arith.constant 0 : i32
      %dma_wait3A_409 = arith.constant 0 : i32
      %dma_wait3A_410 = tpu.memref_slice %arg2[%dma_wait3A_408, %dma_wait3A_409] : memref<1000000x64xf32, #tpu.memory_space<hbm>> -> memref<1000000x64xf32, #tpu.memory_space<hbm>>
      tpu.wait_indirect_dma semaphore(%arg9 : memref<!tpu.dma_semaphore, #tpu.memory_space<semaphore_mem>>) src(%dma_wait3A_410 : memref<1000000x64xf32, #tpu.memory_space<hbm>>) dst(%dma_wait3A_404 : memref<128x64xf32, #tpu.memory_space<vmem>>)
      %mul3A_411 = arith.constant 256 : i32
      %mul3A_412 = arith.muli %sub3A_380, %mul3A_411 : i32
      %add3A_413 = arith.addi %mul3A_2, %mul3A_412 : i32
      %multiple_of3A_414 = tpu.assume_multiple %add3A_413, 256 : i32
      %dma_start3A_415 = arith.constant 2 : i32
      %dma_start3A_416 = arith.constant 0 : i32
      %dma_start3A_417 = arith.constant 0 : i32
      %dma_start3A_418 = tpu.memref_slice %arg6[%dma_start3A_415, %dma_start3A_416, %dma_start3A_417] : memref<4x256x64xf32, #tpu.memory_space<vmem>> -> memref<1x256x64xf32, #tpu.memory_space<vmem>>
      %dma_start3A_419 = tpu.memref_squeeze %dma_start3A_418 : memref<1x256x64xf32, #tpu.memory_space<vmem>> -> memref<256x64xf32, #tpu.memory_space<vmem>>
      %dma_start3A_420 = arith.constant 0 : i32
      %dma_start3A_421 = tpu.memref_slice %arg4[%multiple_of3A_414, %dma_start3A_420] : memref<425984x128xf32, #tpu.memory_space<hbm>> -> memref<256x64xf32, #tpu.memory_space<hbm>>
      %dma_start3A_422 = arith.constant 0 : i32
      %dma_start3A_423 = tpu.memref_slice %arg4[%multiple_of3A_414, %dma_start3A_422] : memref<425984x128xf32, #tpu.memory_space<hbm>> -> memref<256x64xf32, #tpu.memory_space<hbm>>
      %dma_start3A_424 = arith.constant 0 : i32
      %dma_start3A_425 = arith.constant 0 : i32
      %dma_start3A_426 = tpu.memref_slice %arg6[%dma_start3A_415, %dma_start3A_424, %dma_start3A_425] : memref<4x256x64xf32, #tpu.memory_space<vmem>> -> memref<1x256x64xf32, #tpu.memory_space<vmem>>
      %dma_start3A_427 = tpu.memref_squeeze %dma_start3A_426 : memref<1x256x64xf32, #tpu.memory_space<vmem>> -> memref<256x64xf32, #tpu.memory_space<vmem>>
      tpu.enqueue_dma source(%dma_start3A_427 : memref<256x64xf32, #tpu.memory_space<vmem>>) target(%dma_start3A_423 : memref<256x64xf32, #tpu.memory_space<hbm>>) target_semaphore(%arg13 : memref<!tpu.dma_semaphore, #tpu.memory_space<semaphore_mem>>)
      %mul3A_428 = arith.constant 4 : i32
      %mul3A_429 = arith.muli %scan3A_326, %mul3A_428 : i32
      %add3A_430 = arith.constant 1 : i32
      %add3A_431 = arith.addi %mul3A_429, %add3A_430 : i32
      %sub3A_432 = arith.constant 4 : i32
      %sub3A_433 = arith.subi %add3A_431, %sub3A_432 : i32
      %mul3A_434 = arith.constant 256 : i32
      %mul3A_435 = arith.muli %sub3A_433, %mul3A_434 : i32
      %add3A_436 = arith.addi %mul3A_2, %mul3A_435 : i32
      %multiple_of3A_437 = tpu.assume_multiple %add3A_436, 256 : i32
      %dma_wait3A_438 = arith.constant 1 : i32
      %dma_wait3A_439 = arith.constant 0 : i32
      %dma_wait3A_440 = arith.constant 0 : i32
      %dma_wait3A_441 = tpu.memref_slice %arg6[%dma_wait3A_438, %dma_wait3A_439, %dma_wait3A_440] : memref<4x256x64xf32, #tpu.memory_space<vmem>> -> memref<1x256x64xf32, #tpu.memory_space<vmem>>
      %dma_wait3A_442 = tpu.memref_squeeze %dma_wait3A_441 : memref<1x256x64xf32, #tpu.memory_space<vmem>> -> memref<256x64xf32, #tpu.memory_space<vmem>>
      %dma_wait3A_443 = arith.constant 0 : i32
      %dma_wait3A_444 = tpu.memref_slice %arg4[%multiple_of3A_437, %dma_wait3A_443] : memref<425984x128xf32, #tpu.memory_space<hbm>> -> memref<256x64xf32, #tpu.memory_space<hbm>>
      %dma_wait3A_445 = arith.constant 0 : i32
      %dma_wait3A_446 = tpu.memref_slice %arg4[%multiple_of3A_437, %dma_wait3A_445] : memref<425984x128xf32, #tpu.memory_space<hbm>> -> memref<256x64xf32, #tpu.memory_space<hbm>>
      %dma_wait3A_447 = arith.constant 0 : i32
      %dma_wait3A_448 = arith.constant 0 : i32
      %dma_wait3A_449 = tpu.memref_slice %arg6[%dma_wait3A_438, %dma_wait3A_447, %dma_wait3A_448] : memref<4x256x64xf32, #tpu.memory_space<vmem>> -> memref<1x256x64xf32, #tpu.memory_space<vmem>>
      %dma_wait3A_450 = tpu.memref_squeeze %dma_wait3A_449 : memref<1x256x64xf32, #tpu.memory_space<vmem>> -> memref<256x64xf32, #tpu.memory_space<vmem>>
      tpu.wait_dma2 semaphore(%arg12 : memref<!tpu.dma_semaphore, #tpu.memory_space<semaphore_mem>>) src(%dma_wait3A_450 : memref<256x64xf32, #tpu.memory_space<vmem>>) dst(%dma_wait3A_446 : memref<256x64xf32, #tpu.memory_space<hbm>>)
      %mul3A_451 = arith.constant 2 : i32
      %mul3A_452 = arith.muli %add3A_431, %mul3A_451 : i32
      %add3A_453 = arith.constant 0 : i32
      %add3A_454 = arith.addi %mul3A_452, %add3A_453 : i32
      %dma_start3A_455 = arith.constant 1 : i32
      %dma_start3A_456 = arith.constant 0 : i32
      %dma_start3A_457 = arith.constant 0 : i32
      %dma_start3A_458 = tpu.memref_slice %arg6[%dma_start3A_455, %dma_start3A_456, %dma_start3A_457] : memref<4x256x64xf32, #tpu.memory_space<vmem>> -> memref<1x128x64xf32, #tpu.memory_space<vmem>>
      %dma_start3A_459 = tpu.memref_squeeze %dma_start3A_458 : memref<1x128x64xf32, #tpu.memory_space<vmem>> -> memref<128x64xf32, #tpu.memory_space<vmem>>
      %dma_start3A_460 = arith.constant 0 : i32
      %dma_start3A_461 = tpu.memref_slice %arg5[%add3A_454, %dma_start3A_460] : memref<104x128xi32, #tpu.memory_space<vmem>> -> memref<1x128xi32, #tpu.memory_space<vmem>>
      %dma_start3A_462 = tpu.memref_squeeze %dma_start3A_461 : memref<1x128xi32, #tpu.memory_space<vmem>> -> memref<128xi32, #tpu.memory_space<vmem>>
      %dma_start3A_463 = arith.constant 0 : i32
      %dma_start3A_464 = arith.constant 0 : i32
      %dma_start3A_465 = tpu.memref_slice %arg2[%dma_start3A_463, %dma_start3A_464] : memref<1000000x64xf32, #tpu.memory_space<hbm>> -> memref<1000000x64xf32, #tpu.memory_space<hbm>>
      tpu.enqueue_indirect_dma source(%dma_start3A_465 : memref<1000000x64xf32, #tpu.memory_space<hbm>>) target(%dma_start3A_459 : memref<128x64xf32, #tpu.memory_space<vmem>>) offsets(%dma_start3A_462 : memref<128xi32, #tpu.memory_space<vmem>>) semaphore(%arg8 : memref<!tpu.dma_semaphore, #tpu.memory_space<semaphore_mem>>)
      %mul3A_466 = arith.constant 2 : i32
      %mul3A_467 = arith.muli %add3A_431, %mul3A_466 : i32
      %add3A_468 = arith.constant 1 : i32
      %add3A_469 = arith.addi %mul3A_467, %add3A_468 : i32
      %dma_start3A_470 = arith.constant 1 : i32
      %dma_start3A_471 = arith.constant 128 : i32
      %dma_start3A_472 = arith.constant 0 : i32
      %dma_start3A_473 = tpu.memref_slice %arg6[%dma_start3A_470, %dma_start3A_471, %dma_start3A_472] : memref<4x256x64xf32, #tpu.memory_space<vmem>> -> memref<1x128x64xf32, #tpu.memory_space<vmem>>
      %dma_start3A_474 = tpu.memref_squeeze %dma_start3A_473 : memref<1x128x64xf32, #tpu.memory_space<vmem>> -> memref<128x64xf32, #tpu.memory_space<vmem>>
      %dma_start3A_475 = arith.constant 0 : i32
      %dma_start3A_476 = tpu.memref_slice %arg5[%add3A_469, %dma_start3A_475] : memref<104x128xi32, #tpu.memory_space<vmem>> -> memref<1x128xi32, #tpu.memory_space<vmem>>
      %dma_start3A_477 = tpu.memref_squeeze %dma_start3A_476 : memref<1x128xi32, #tpu.memory_space<vmem>> -> memref<128xi32, #tpu.memory_space<vmem>>
      %dma_start3A_478 = arith.constant 0 : i32
      %dma_start3A_479 = arith.constant 0 : i32
      %dma_start3A_480 = tpu.memref_slice %arg2[%dma_start3A_478, %dma_start3A_479] : memref<1000000x64xf32, #tpu.memory_space<hbm>> -> memref<1000000x64xf32, #tpu.memory_space<hbm>>
      tpu.enqueue_indirect_dma source(%dma_start3A_480 : memref<1000000x64xf32, #tpu.memory_space<hbm>>) target(%dma_start3A_474 : memref<128x64xf32, #tpu.memory_space<vmem>>) offsets(%dma_start3A_477 : memref<128xi32, #tpu.memory_space<vmem>>) semaphore(%arg8 : memref<!tpu.dma_semaphore, #tpu.memory_space<semaphore_mem>>)
      %sub3A_481 = arith.constant 2 : i32
      %sub3A_482 = arith.subi %add3A_431, %sub3A_481 : i32
      %mul3A_483 = arith.constant 2 : i32
      %mul3A_484 = arith.muli %sub3A_482, %mul3A_483 : i32
      %add3A_485 = arith.constant 0 : i32
      %add3A_486 = arith.addi %mul3A_484, %add3A_485 : i32
      %dma_wait3A_487 = arith.constant 3 : i32
      %dma_wait3A_488 = arith.constant 0 : i32
      %dma_wait3A_489 = arith.constant 0 : i32
      %dma_wait3A_490 = tpu.memref_slice %arg6[%dma_wait3A_487, %dma_wait3A_488, %dma_wait3A_489] : memref<4x256x64xf32, #tpu.memory_space<vmem>> -> memref<1x128x64xf32, #tpu.memory_space<vmem>>
      %dma_wait3A_491 = tpu.memref_squeeze %dma_wait3A_490 : memref<1x128x64xf32, #tpu.memory_space<vmem>> -> memref<128x64xf32, #tpu.memory_space<vmem>>
      %dma_wait3A_492 = arith.constant 0 : i32
      %dma_wait3A_493 = tpu.memref_slice %arg5[%add3A_486, %dma_wait3A_492] : memref<104x128xi32, #tpu.memory_space<vmem>> -> memref<1x128xi32, #tpu.memory_space<vmem>>
      %dma_wait3A_494 = tpu.memref_squeeze %dma_wait3A_493 : memref<1x128xi32, #tpu.memory_space<vmem>> -> memref<128xi32, #tpu.memory_space<vmem>>
      %dma_wait3A_495 = arith.constant 0 : i32
      %dma_wait3A_496 = arith.constant 0 : i32
      %dma_wait3A_497 = tpu.memref_slice %arg2[%dma_wait3A_495, %dma_wait3A_496] : memref<1000000x64xf32, #tpu.memory_space<hbm>> -> memref<1000000x64xf32, #tpu.memory_space<hbm>>
      tpu.wait_indirect_dma semaphore(%arg10 : memref<!tpu.dma_semaphore, #tpu.memory_space<semaphore_mem>>) src(%dma_wait3A_497 : memref<1000000x64xf32, #tpu.memory_space<hbm>>) dst(%dma_wait3A_491 : memref<128x64xf32, #tpu.memory_space<vmem>>)
      %mul3A_498 = arith.constant 2 : i32
      %mul3A_499 = arith.muli %sub3A_482, %mul3A_498 : i32
      %add3A_500 = arith.constant 1 : i32
      %add3A_501 = arith.addi %mul3A_499, %add3A_500 : i32
      %dma_wait3A_502 = arith.constant 3 : i32
      %dma_wait3A_503 = arith.constant 128 : i32
      %dma_wait3A_504 = arith.constant 0 : i32
      %dma_wait3A_505 = tpu.memref_slice %arg6[%dma_wait3A_502, %dma_wait3A_503, %dma_wait3A_504] : memref<4x256x64xf32, #tpu.memory_space<vmem>> -> memref<1x128x64xf32, #tpu.memory_space<vmem>>
      %dma_wait3A_506 = tpu.memref_squeeze %dma_wait3A_505 : memref<1x128x64xf32, #tpu.memory_space<vmem>> -> memref<128x64xf32, #tpu.memory_space<vmem>>
      %dma_wait3A_507 = arith.constant 0 : i32
      %dma_wait3A_508 = tpu.memref_slice %arg5[%add3A_501, %dma_wait3A_507] : memref<104x128xi32, #tpu.memory_space<vmem>> -> memref<1x128xi32, #tpu.memory_space<vmem>>
      %dma_wait3A_509 = tpu.memref_squeeze %dma_wait3A_508 : memref<1x128xi32, #tpu.memory_space<vmem>> -> memref<128xi32, #tpu.memory_space<vmem>>
      %dma_wait3A_510 = arith.constant 0 : i32
      %dma_wait3A_511 = arith.constant 0 : i32
      %dma_wait3A_512 = tpu.memref_slice %arg2[%dma_wait3A_510, %dma_wait3A_511] : memref<1000000x64xf32, #tpu.memory_space<hbm>> -> memref<1000000x64xf32, #tpu.memory_space<hbm>>
      tpu.wait_indirect_dma semaphore(%arg10 : memref<!tpu.dma_semaphore, #tpu.memory_space<semaphore_mem>>) src(%dma_wait3A_512 : memref<1000000x64xf32, #tpu.memory_space<hbm>>) dst(%dma_wait3A_506 : memref<128x64xf32, #tpu.memory_space<vmem>>)
      %mul3A_513 = arith.constant 256 : i32
      %mul3A_514 = arith.muli %sub3A_482, %mul3A_513 : i32
      %add3A_515 = arith.addi %mul3A_2, %mul3A_514 : i32
      %multiple_of3A_516 = tpu.assume_multiple %add3A_515, 256 : i32
      %dma_start3A_517 = arith.constant 3 : i32
      %dma_start3A_518 = arith.constant 0 : i32
      %dma_start3A_519 = arith.constant 0 : i32
      %dma_start3A_520 = tpu.memref_slice %arg6[%dma_start3A_517, %dma_start3A_518, %dma_start3A_519] : memref<4x256x64xf32, #tpu.memory_space<vmem>> -> memref<1x256x64xf32, #tpu.memory_space<vmem>>
      %dma_start3A_521 = tpu.memref_squeeze %dma_start3A_520 : memref<1x256x64xf32, #tpu.memory_space<vmem>> -> memref<256x64xf32, #tpu.memory_space<vmem>>
      %dma_start3A_522 = arith.constant 0 : i32
      %dma_start3A_523 = tpu.memref_slice %arg4[%multiple_of3A_516, %dma_start3A_522] : memref<425984x128xf32, #tpu.memory_space<hbm>> -> memref<256x64xf32, #tpu.memory_space<hbm>>
      %dma_start3A_524 = arith.constant 0 : i32
      %dma_start3A_525 = tpu.memref_slice %arg4[%multiple_of3A_516, %dma_start3A_524] : memref<425984x128xf32, #tpu.memory_space<hbm>> -> memref<256x64xf32, #tpu.memory_space<hbm>>
      %dma_start3A_526 = arith.constant 0 : i32
      %dma_start3A_527 = arith.constant 0 : i32
      %dma_start3A_528 = tpu.memref_slice %arg6[%dma_start3A_517, %dma_start3A_526, %dma_start3A_527] : memref<4x256x64xf32, #tpu.memory_space<vmem>> -> memref<1x256x64xf32, #tpu.memory_space<vmem>>
      %dma_start3A_529 = tpu.memref_squeeze %dma_start3A_528 : memref<1x256x64xf32, #tpu.memory_space<vmem>> -> memref<256x64xf32, #tpu.memory_space<vmem>>
      tpu.enqueue_dma source(%dma_start3A_529 : memref<256x64xf32, #tpu.memory_space<vmem>>) target(%dma_start3A_525 : memref<256x64xf32, #tpu.memory_space<hbm>>) target_semaphore(%arg14 : memref<!tpu.dma_semaphore, #tpu.memory_space<semaphore_mem>>)
      %mul3A_530 = arith.constant 4 : i32
      %mul3A_531 = arith.muli %scan3A_326, %mul3A_530 : i32
      %add3A_532 = arith.constant 2 : i32
      %add3A_533 = arith.addi %mul3A_531, %add3A_532 : i32
      %sub3A_534 = arith.constant 4 : i32
      %sub3A_535 = arith.subi %add3A_533, %sub3A_534 : i32
      %mul3A_536 = arith.constant 256 : i32
      %mul3A_537 = arith.muli %sub3A_535, %mul3A_536 : i32
      %add3A_538 = arith.addi %mul3A_2, %mul3A_537 : i32
      %multiple_of3A_539 = tpu.assume_multiple %add3A_538, 256 : i32
      %dma_wait3A_540 = arith.constant 2 : i32
      %dma_wait3A_541 = arith.constant 0 : i32
      %dma_wait3A_542 = arith.constant 0 : i32
      %dma_wait3A_543 = tpu.memref_slice %arg6[%dma_wait3A_540, %dma_wait3A_541, %dma_wait3A_542] : memref<4x256x64xf32, #tpu.memory_space<vmem>> -> memref<1x256x64xf32, #tpu.memory_space<vmem>>
      %dma_wait3A_544 = tpu.memref_squeeze %dma_wait3A_543 : memref<1x256x64xf32, #tpu.memory_space<vmem>> -> memref<256x64xf32, #tpu.memory_space<vmem>>
      %dma_wait3A_545 = arith.constant 0 : i32
      %dma_wait3A_546 = tpu.memref_slice %arg4[%multiple_of3A_539, %dma_wait3A_545] : memref<425984x128xf32, #tpu.memory_space<hbm>> -> memref<256x64xf32, #tpu.memory_space<hbm>>
      %dma_wait3A_547 = arith.constant 0 : i32
      %dma_wait3A_548 = tpu.memref_slice %arg4[%multiple_of3A_539, %dma_wait3A_547] : memref<425984x128xf32, #tpu.memory_space<hbm>> -> memref<256x64xf32, #tpu.memory_space<hbm>>
      %dma_wait3A_549 = arith.constant 0 : i32
      %dma_wait3A_550 = arith.constant 0 : i32
      %dma_wait3A_551 = tpu.memref_slice %arg6[%dma_wait3A_540, %dma_wait3A_549, %dma_wait3A_550] : memref<4x256x64xf32, #tpu.memory_space<vmem>> -> memref<1x256x64xf32, #tpu.memory_space<vmem>>
      %dma_wait3A_552 = tpu.memref_squeeze %dma_wait3A_551 : memref<1x256x64xf32, #tpu.memory_space<vmem>> -> memref<256x64xf32, #tpu.memory_space<vmem>>
      tpu.wait_dma2 semaphore(%arg13 : memref<!tpu.dma_semaphore, #tpu.memory_space<semaphore_mem>>) src(%dma_wait3A_552 : memref<256x64xf32, #tpu.memory_space<vmem>>) dst(%dma_wait3A_548 : memref<256x64xf32, #tpu.memory_space<hbm>>)
      %mul3A_553 = arith.constant 2 : i32
      %mul3A_554 = arith.muli %add3A_533, %mul3A_553 : i32
      %add3A_555 = arith.constant 0 : i32
      %add3A_556 = arith.addi %mul3A_554, %add3A_555 : i32
      %dma_start3A_557 = arith.constant 2 : i32
      %dma_start3A_558 = arith.constant 0 : i32
      %dma_start3A_559 = arith.constant 0 : i32
      %dma_start3A_560 = tpu.memref_slice %arg6[%dma_start3A_557, %dma_start3A_558, %dma_start3A_559] : memref<4x256x64xf32, #tpu.memory_space<vmem>> -> memref<1x128x64xf32, #tpu.memory_space<vmem>>
      %dma_start3A_561 = tpu.memref_squeeze %dma_start3A_560 : memref<1x128x64xf32, #tpu.memory_space<vmem>> -> memref<128x64xf32, #tpu.memory_space<vmem>>
      %dma_start3A_562 = arith.constant 0 : i32
      %dma_start3A_563 = tpu.memref_slice %arg5[%add3A_556, %dma_start3A_562] : memref<104x128xi32, #tpu.memory_space<vmem>> -> memref<1x128xi32, #tpu.memory_space<vmem>>
      %dma_start3A_564 = tpu.memref_squeeze %dma_start3A_563 : memref<1x128xi32, #tpu.memory_space<vmem>> -> memref<128xi32, #tpu.memory_space<vmem>>
      %dma_start3A_565 = arith.constant 0 : i32
      %dma_start3A_566 = arith.constant 0 : i32
      %dma_start3A_567 = tpu.memref_slice %arg2[%dma_start3A_565, %dma_start3A_566] : memref<1000000x64xf32, #tpu.memory_space<hbm>> -> memref<1000000x64xf32, #tpu.memory_space<hbm>>
      tpu.enqueue_indirect_dma source(%dma_start3A_567 : memref<1000000x64xf32, #tpu.memory_space<hbm>>) target(%dma_start3A_561 : memref<128x64xf32, #tpu.memory_space<vmem>>) offsets(%dma_start3A_564 : memref<128xi32, #tpu.memory_space<vmem>>) semaphore(%arg9 : memref<!tpu.dma_semaphore, #tpu.memory_space<semaphore_mem>>)
      %mul3A_568 = arith.constant 2 : i32
      %mul3A_569 = arith.muli %add3A_533, %mul3A_568 : i32
      %add3A_570 = arith.constant 1 : i32
      %add3A_571 = arith.addi %mul3A_569, %add3A_570 : i32
      %dma_start3A_572 = arith.constant 2 : i32
      %dma_start3A_573 = arith.constant 128 : i32
      %dma_start3A_574 = arith.constant 0 : i32
      %dma_start3A_575 = tpu.memref_slice %arg6[%dma_start3A_572, %dma_start3A_573, %dma_start3A_574] : memref<4x256x64xf32, #tpu.memory_space<vmem>> -> memref<1x128x64xf32, #tpu.memory_space<vmem>>
      %dma_start3A_576 = tpu.memref_squeeze %dma_start3A_575 : memref<1x128x64xf32, #tpu.memory_space<vmem>> -> memref<128x64xf32, #tpu.memory_space<vmem>>
      %dma_start3A_577 = arith.constant 0 : i32
      %dma_start3A_578 = tpu.memref_slice %arg5[%add3A_571, %dma_start3A_577] : memref<104x128xi32, #tpu.memory_space<vmem>> -> memref<1x128xi32, #tpu.memory_space<vmem>>
      %dma_start3A_579 = tpu.memref_squeeze %dma_start3A_578 : memref<1x128xi32, #tpu.memory_space<vmem>> -> memref<128xi32, #tpu.memory_space<vmem>>
      %dma_start3A_580 = arith.constant 0 : i32
      %dma_start3A_581 = arith.constant 0 : i32
      %dma_start3A_582 = tpu.memref_slice %arg2[%dma_start3A_580, %dma_start3A_581] : memref<1000000x64xf32, #tpu.memory_space<hbm>> -> memref<1000000x64xf32, #tpu.memory_space<hbm>>
      tpu.enqueue_indirect_dma source(%dma_start3A_582 : memref<1000000x64xf32, #tpu.memory_space<hbm>>) target(%dma_start3A_576 : memref<128x64xf32, #tpu.memory_space<vmem>>) offsets(%dma_start3A_579 : memref<128xi32, #tpu.memory_space<vmem>>) semaphore(%arg9 : memref<!tpu.dma_semaphore, #tpu.memory_space<semaphore_mem>>)
      %sub3A_583 = arith.constant 2 : i32
      %sub3A_584 = arith.subi %add3A_533, %sub3A_583 : i32
      %mul3A_585 = arith.constant 2 : i32
      %mul3A_586 = arith.muli %sub3A_584, %mul3A_585 : i32
      %add3A_587 = arith.constant 0 : i32
      %add3A_588 = arith.addi %mul3A_586, %add3A_587 : i32
      %dma_wait3A_589 = arith.constant 0 : i32
      %dma_wait3A_590 = arith.constant 0 : i32
      %dma_wait3A_591 = arith.constant 0 : i32
      %dma_wait3A_592 = tpu.memref_slice %arg6[%dma_wait3A_589, %dma_wait3A_590, %dma_wait3A_591] : memref<4x256x64xf32, #tpu.memory_space<vmem>> -> memref<1x128x64xf32, #tpu.memory_space<vmem>>
      %dma_wait3A_593 = tpu.memref_squeeze %dma_wait3A_592 : memref<1x128x64xf32, #tpu.memory_space<vmem>> -> memref<128x64xf32, #tpu.memory_space<vmem>>
      %dma_wait3A_594 = arith.constant 0 : i32
      %dma_wait3A_595 = tpu.memref_slice %arg5[%add3A_588, %dma_wait3A_594] : memref<104x128xi32, #tpu.memory_space<vmem>> -> memref<1x128xi32, #tpu.memory_space<vmem>>
      %dma_wait3A_596 = tpu.memref_squeeze %dma_wait3A_595 : memref<1x128xi32, #tpu.memory_space<vmem>> -> memref<128xi32, #tpu.memory_space<vmem>>
      %dma_wait3A_597 = arith.constant 0 : i32
      %dma_wait3A_598 = arith.constant 0 : i32
      %dma_wait3A_599 = tpu.memref_slice %arg2[%dma_wait3A_597, %dma_wait3A_598] : memref<1000000x64xf32, #tpu.memory_space<hbm>> -> memref<1000000x64xf32, #tpu.memory_space<hbm>>
      tpu.wait_indirect_dma semaphore(%arg7 : memref<!tpu.dma_semaphore, #tpu.memory_space<semaphore_mem>>) src(%dma_wait3A_599 : memref<1000000x64xf32, #tpu.memory_space<hbm>>) dst(%dma_wait3A_593 : memref<128x64xf32, #tpu.memory_space<vmem>>)
      %mul3A_600 = arith.constant 2 : i32
      %mul3A_601 = arith.muli %sub3A_584, %mul3A_600 : i32
      %add3A_602 = arith.constant 1 : i32
      %add3A_603 = arith.addi %mul3A_601, %add3A_602 : i32
      %dma_wait3A_604 = arith.constant 0 : i32
      %dma_wait3A_605 = arith.constant 128 : i32
      %dma_wait3A_606 = arith.constant 0 : i32
      %dma_wait3A_607 = tpu.memref_slice %arg6[%dma_wait3A_604, %dma_wait3A_605, %dma_wait3A_606] : memref<4x256x64xf32, #tpu.memory_space<vmem>> -> memref<1x128x64xf32, #tpu.memory_space<vmem>>
      %dma_wait3A_608 = tpu.memref_squeeze %dma_wait3A_607 : memref<1x128x64xf32, #tpu.memory_space<vmem>> -> memref<128x64xf32, #tpu.memory_space<vmem>>
      %dma_wait3A_609 = arith.constant 0 : i32
      %dma_wait3A_610 = tpu.memref_slice %arg5[%add3A_603, %dma_wait3A_609] : memref<104x128xi32, #tpu.memory_space<vmem>> -> memref<1x128xi32, #tpu.memory_space<vmem>>
      %dma_wait3A_611 = tpu.memref_squeeze %dma_wait3A_610 : memref<1x128xi32, #tpu.memory_space<vmem>> -> memref<128xi32, #tpu.memory_space<vmem>>
      %dma_wait3A_612 = arith.constant 0 : i32
      %dma_wait3A_613 = arith.constant 0 : i32
      %dma_wait3A_614 = tpu.memref_slice %arg2[%dma_wait3A_612, %dma_wait3A_613] : memref<1000000x64xf32, #tpu.memory_space<hbm>> -> memref<1000000x64xf32, #tpu.memory_space<hbm>>
      tpu.wait_indirect_dma semaphore(%arg7 : memref<!tpu.dma_semaphore, #tpu.memory_space<semaphore_mem>>) src(%dma_wait3A_614 : memref<1000000x64xf32, #tpu.memory_space<hbm>>) dst(%dma_wait3A_608 : memref<128x64xf32, #tpu.memory_space<vmem>>)
      %mul3A_615 = arith.constant 256 : i32
      %mul3A_616 = arith.muli %sub3A_584, %mul3A_615 : i32
      %add3A_617 = arith.addi %mul3A_2, %mul3A_616 : i32
      %multiple_of3A_618 = tpu.assume_multiple %add3A_617, 256 : i32
      %dma_start3A_619 = arith.constant 0 : i32
      %dma_start3A_620 = arith.constant 0 : i32
      %dma_start3A_621 = arith.constant 0 : i32
      %dma_start3A_622 = tpu.memref_slice %arg6[%dma_start3A_619, %dma_start3A_620, %dma_start3A_621] : memref<4x256x64xf32, #tpu.memory_space<vmem>> -> memref<1x256x64xf32, #tpu.memory_space<vmem>>
      %dma_start3A_623 = tpu.memref_squeeze %dma_start3A_622 : memref<1x256x64xf32, #tpu.memory_space<vmem>> -> memref<256x64xf32, #tpu.memory_space<vmem>>
      %dma_start3A_624 = arith.constant 0 : i32
      %dma_start3A_625 = tpu.memref_slice %arg4[%multiple_of3A_618, %dma_start3A_624] : memref<425984x128xf32, #tpu.memory_space<hbm>> -> memref<256x64xf32, #tpu.memory_space<hbm>>
      %dma_start3A_626 = arith.constant 0 : i32
      %dma_start3A_627 = tpu.memref_slice %arg4[%multiple_of3A_618, %dma_start3A_626] : memref<425984x128xf32, #tpu.memory_space<hbm>> -> memref<256x64xf32, #tpu.memory_space<hbm>>
      %dma_start3A_628 = arith.constant 0 : i32
      %dma_start3A_629 = arith.constant 0 : i32
      %dma_start3A_630 = tpu.memref_slice %arg6[%dma_start3A_619, %dma_start3A_628, %dma_start3A_629] : memref<4x256x64xf32, #tpu.memory_space<vmem>> -> memref<1x256x64xf32, #tpu.memory_space<vmem>>
      %dma_start3A_631 = tpu.memref_squeeze %dma_start3A_630 : memref<1x256x64xf32, #tpu.memory_space<vmem>> -> memref<256x64xf32, #tpu.memory_space<vmem>>
      tpu.enqueue_dma source(%dma_start3A_631 : memref<256x64xf32, #tpu.memory_space<vmem>>) target(%dma_start3A_627 : memref<256x64xf32, #tpu.memory_space<hbm>>) target_semaphore(%arg11 : memref<!tpu.dma_semaphore, #tpu.memory_space<semaphore_mem>>)
      %mul3A_632 = arith.constant 4 : i32
      %mul3A_633 = arith.muli %scan3A_326, %mul3A_632 : i32
      %add3A_634 = arith.constant 3 : i32
      %add3A_635 = arith.addi %mul3A_633, %add3A_634 : i32
      %sub3A_636 = arith.constant 4 : i32
      %sub3A_637 = arith.subi %add3A_635, %sub3A_636 : i32
      %mul3A_638 = arith.constant 256 : i32
      %mul3A_639 = arith.muli %sub3A_637, %mul3A_638 : i32
      %add3A_640 = arith.addi %mul3A_2, %mul3A_639 : i32
      %multiple_of3A_641 = tpu.assume_multiple %add3A_640, 256 : i32
      %dma_wait3A_642 = arith.constant 3 : i32
      %dma_wait3A_643 = arith.constant 0 : i32
      %dma_wait3A_644 = arith.constant 0 : i32
      %dma_wait3A_645 = tpu.memref_slice %arg6[%dma_wait3A_642, %dma_wait3A_643, %dma_wait3A_644] : memref<4x256x64xf32, #tpu.memory_space<vmem>> -> memref<1x256x64xf32, #tpu.memory_space<vmem>>
      %dma_wait3A_646 = tpu.memref_squeeze %dma_wait3A_645 : memref<1x256x64xf32, #tpu.memory_space<vmem>> -> memref<256x64xf32, #tpu.memory_space<vmem>>
      %dma_wait3A_647 = arith.constant 0 : i32
      %dma_wait3A_648 = tpu.memref_slice %arg4[%multiple_of3A_641, %dma_wait3A_647] : memref<425984x128xf32, #tpu.memory_space<hbm>> -> memref<256x64xf32, #tpu.memory_space<hbm>>
      %dma_wait3A_649 = arith.constant 0 : i32
      %dma_wait3A_650 = tpu.memref_slice %arg4[%multiple_of3A_641, %dma_wait3A_649] : memref<425984x128xf32, #tpu.memory_space<hbm>> -> memref<256x64xf32, #tpu.memory_space<hbm>>
      %dma_wait3A_651 = arith.constant 0 : i32
      %dma_wait3A_652 = arith.constant 0 : i32
      %dma_wait3A_653 = tpu.memref_slice %arg6[%dma_wait3A_642, %dma_wait3A_651, %dma_wait3A_652] : memref<4x256x64xf32, #tpu.memory_space<vmem>> -> memref<1x256x64xf32, #tpu.memory_space<vmem>>
      %dma_wait3A_654 = tpu.memref_squeeze %dma_wait3A_653 : memref<1x256x64xf32, #tpu.memory_space<vmem>> -> memref<256x64xf32, #tpu.memory_space<vmem>>
      tpu.wait_dma2 semaphore(%arg14 : memref<!tpu.dma_semaphore, #tpu.memory_space<semaphore_mem>>) src(%dma_wait3A_654 : memref<256x64xf32, #tpu.memory_space<vmem>>) dst(%dma_wait3A_650 : memref<256x64xf32, #tpu.memory_space<hbm>>)
      %mul3A_655 = arith.constant 2 : i32
      %mul3A_656 = arith.muli %add3A_635, %mul3A_655 : i32
      %add3A_657 = arith.constant 0 : i32
      %add3A_658 = arith.addi %mul3A_656, %add3A_657 : i32
      %dma_start3A_659 = arith.constant 3 : i32
      %dma_start3A_660 = arith.constant 0 : i32
      %dma_start3A_661 = arith.constant 0 : i32
      %dma_start3A_662 = tpu.memref_slice %arg6[%dma_start3A_659, %dma_start3A_660, %dma_start3A_661] : memref<4x256x64xf32, #tpu.memory_space<vmem>> -> memref<1x128x64xf32, #tpu.memory_space<vmem>>
      %dma_start3A_663 = tpu.memref_squeeze %dma_start3A_662 : memref<1x128x64xf32, #tpu.memory_space<vmem>> -> memref<128x64xf32, #tpu.memory_space<vmem>>
      %dma_start3A_664 = arith.constant 0 : i32
      %dma_start3A_665 = tpu.memref_slice %arg5[%add3A_658, %dma_start3A_664] : memref<104x128xi32, #tpu.memory_space<vmem>> -> memref<1x128xi32, #tpu.memory_space<vmem>>
      %dma_start3A_666 = tpu.memref_squeeze %dma_start3A_665 : memref<1x128xi32, #tpu.memory_space<vmem>> -> memref<128xi32, #tpu.memory_space<vmem>>
      %dma_start3A_667 = arith.constant 0 : i32
      %dma_start3A_668 = arith.constant 0 : i32
      %dma_start3A_669 = tpu.memref_slice %arg2[%dma_start3A_667, %dma_start3A_668] : memref<1000000x64xf32, #tpu.memory_space<hbm>> -> memref<1000000x64xf32, #tpu.memory_space<hbm>>
      tpu.enqueue_indirect_dma source(%dma_start3A_669 : memref<1000000x64xf32, #tpu.memory_space<hbm>>) target(%dma_start3A_663 : memref<128x64xf32, #tpu.memory_space<vmem>>) offsets(%dma_start3A_666 : memref<128xi32, #tpu.memory_space<vmem>>) semaphore(%arg10 : memref<!tpu.dma_semaphore, #tpu.memory_space<semaphore_mem>>)
      %mul3A_670 = arith.constant 2 : i32
      %mul3A_671 = arith.muli %add3A_635, %mul3A_670 : i32
      %add3A_672 = arith.constant 1 : i32
      %add3A_673 = arith.addi %mul3A_671, %add3A_672 : i32
      %dma_start3A_674 = arith.constant 3 : i32
      %dma_start3A_675 = arith.constant 128 : i32
      %dma_start3A_676 = arith.constant 0 : i32
      %dma_start3A_677 = tpu.memref_slice %arg6[%dma_start3A_674, %dma_start3A_675, %dma_start3A_676] : memref<4x256x64xf32, #tpu.memory_space<vmem>> -> memref<1x128x64xf32, #tpu.memory_space<vmem>>
      %dma_start3A_678 = tpu.memref_squeeze %dma_start3A_677 : memref<1x128x64xf32, #tpu.memory_space<vmem>> -> memref<128x64xf32, #tpu.memory_space<vmem>>
      %dma_start3A_679 = arith.constant 0 : i32
      %dma_start3A_680 = tpu.memref_slice %arg5[%add3A_673, %dma_start3A_679] : memref<104x128xi32, #tpu.memory_space<vmem>> -> memref<1x128xi32, #tpu.memory_space<vmem>>
      %dma_start3A_681 = tpu.memref_squeeze %dma_start3A_680 : memref<1x128xi32, #tpu.memory_space<vmem>> -> memref<128xi32, #tpu.memory_space<vmem>>
      %dma_start3A_682 = arith.constant 0 : i32
      %dma_start3A_683 = arith.constant 0 : i32
      %dma_start3A_684 = tpu.memref_slice %arg2[%dma_start3A_682, %dma_start3A_683] : memref<1000000x64xf32, #tpu.memory_space<hbm>> -> memref<1000000x64xf32, #tpu.memory_space<hbm>>
      tpu.enqueue_indirect_dma source(%dma_start3A_684 : memref<1000000x64xf32, #tpu.memory_space<hbm>>) target(%dma_start3A_678 : memref<128x64xf32, #tpu.memory_space<vmem>>) offsets(%dma_start3A_681 : memref<128xi32, #tpu.memory_space<vmem>>) semaphore(%arg10 : memref<!tpu.dma_semaphore, #tpu.memory_space<semaphore_mem>>)
      %sub3A_685 = arith.constant 2 : i32
      %sub3A_686 = arith.subi %add3A_635, %sub3A_685 : i32
      %mul3A_687 = arith.constant 2 : i32
      %mul3A_688 = arith.muli %sub3A_686, %mul3A_687 : i32
      %add3A_689 = arith.constant 0 : i32
      %add3A_690 = arith.addi %mul3A_688, %add3A_689 : i32
      %dma_wait3A_691 = arith.constant 1 : i32
      %dma_wait3A_692 = arith.constant 0 : i32
      %dma_wait3A_693 = arith.constant 0 : i32
      %dma_wait3A_694 = tpu.memref_slice %arg6[%dma_wait3A_691, %dma_wait3A_692, %dma_wait3A_693] : memref<4x256x64xf32, #tpu.memory_space<vmem>> -> memref<1x128x64xf32, #tpu.memory_space<vmem>>
      %dma_wait3A_695 = tpu.memref_squeeze %dma_wait3A_694 : memref<1x128x64xf32, #tpu.memory_space<vmem>> -> memref<128x64xf32, #tpu.memory_space<vmem>>
      %dma_wait3A_696 = arith.constant 0 : i32
      %dma_wait3A_697 = tpu.memref_slice %arg5[%add3A_690, %dma_wait3A_696] : memref<104x128xi32, #tpu.memory_space<vmem>> -> memref<1x128xi32, #tpu.memory_space<vmem>>
      %dma_wait3A_698 = tpu.memref_squeeze %dma_wait3A_697 : memref<1x128xi32, #tpu.memory_space<vmem>> -> memref<128xi32, #tpu.memory_space<vmem>>
      %dma_wait3A_699 = arith.constant 0 : i32
      %dma_wait3A_700 = arith.constant 0 : i32
      %dma_wait3A_701 = tpu.memref_slice %arg2[%dma_wait3A_699, %dma_wait3A_700] : memref<1000000x64xf32, #tpu.memory_space<hbm>> -> memref<1000000x64xf32, #tpu.memory_space<hbm>>
      tpu.wait_indirect_dma semaphore(%arg8 : memref<!tpu.dma_semaphore, #tpu.memory_space<semaphore_mem>>) src(%dma_wait3A_701 : memref<1000000x64xf32, #tpu.memory_space<hbm>>) dst(%dma_wait3A_695 : memref<128x64xf32, #tpu.memory_space<vmem>>)
      %mul3A_702 = arith.constant 2 : i32
      %mul3A_703 = arith.muli %sub3A_686, %mul3A_702 : i32
      %add3A_704 = arith.constant 1 : i32
      %add3A_705 = arith.addi %mul3A_703, %add3A_704 : i32
      %dma_wait3A_706 = arith.constant 1 : i32
      %dma_wait3A_707 = arith.constant 128 : i32
      %dma_wait3A_708 = arith.constant 0 : i32
      %dma_wait3A_709 = tpu.memref_slice %arg6[%dma_wait3A_706, %dma_wait3A_707, %dma_wait3A_708] : memref<4x256x64xf32, #tpu.memory_space<vmem>> -> memref<1x128x64xf32, #tpu.memory_space<vmem>>
      %dma_wait3A_710 = tpu.memref_squeeze %dma_wait3A_709 : memref<1x128x64xf32, #tpu.memory_space<vmem>> -> memref<128x64xf32, #tpu.memory_space<vmem>>
      %dma_wait3A_711 = arith.constant 0 : i32
      %dma_wait3A_712 = tpu.memref_slice %arg5[%add3A_705, %dma_wait3A_711] : memref<104x128xi32, #tpu.memory_space<vmem>> -> memref<1x128xi32, #tpu.memory_space<vmem>>
      %dma_wait3A_713 = tpu.memref_squeeze %dma_wait3A_712 : memref<1x128xi32, #tpu.memory_space<vmem>> -> memref<128xi32, #tpu.memory_space<vmem>>
      %dma_wait3A_714 = arith.constant 0 : i32
      %dma_wait3A_715 = arith.constant 0 : i32
      %dma_wait3A_716 = tpu.memref_slice %arg2[%dma_wait3A_714, %dma_wait3A_715] : memref<1000000x64xf32, #tpu.memory_space<hbm>> -> memref<1000000x64xf32, #tpu.memory_space<hbm>>
      tpu.wait_indirect_dma semaphore(%arg8 : memref<!tpu.dma_semaphore, #tpu.memory_space<semaphore_mem>>) src(%dma_wait3A_716 : memref<1000000x64xf32, #tpu.memory_space<hbm>>) dst(%dma_wait3A_710 : memref<128x64xf32, #tpu.memory_space<vmem>>)
      %mul3A_717 = arith.constant 256 : i32
      %mul3A_718 = arith.muli %sub3A_686, %mul3A_717 : i32
      %add3A_719 = arith.addi %mul3A_2, %mul3A_718 : i32
      %multiple_of3A_720 = tpu.assume_multiple %add3A_719, 256 : i32
      %dma_start3A_721 = arith.constant 1 : i32
      %dma_start3A_722 = arith.constant 0 : i32
      %dma_start3A_723 = arith.constant 0 : i32
      %dma_start3A_724 = tpu.memref_slice %arg6[%dma_start3A_721, %dma_start3A_722, %dma_start3A_723] : memref<4x256x64xf32, #tpu.memory_space<vmem>> -> memref<1x256x64xf32, #tpu.memory_space<vmem>>
      %dma_start3A_725 = tpu.memref_squeeze %dma_start3A_724 : memref<1x256x64xf32, #tpu.memory_space<vmem>> -> memref<256x64xf32, #tpu.memory_space<vmem>>
      %dma_start3A_726 = arith.constant 0 : i32
      %dma_start3A_727 = tpu.memref_slice %arg4[%multiple_of3A_720, %dma_start3A_726] : memref<425984x128xf32, #tpu.memory_space<hbm>> -> memref<256x64xf32, #tpu.memory_space<hbm>>
      %dma_start3A_728 = arith.constant 0 : i32
      %dma_start3A_729 = tpu.memref_slice %arg4[%multiple_of3A_720, %dma_start3A_728] : memref<425984x128xf32, #tpu.memory_space<hbm>> -> memref<256x64xf32, #tpu.memory_space<hbm>>
      %dma_start3A_730 = arith.constant 0 : i32
      %dma_start3A_731 = arith.constant 0 : i32
      %dma_start3A_732 = tpu.memref_slice %arg6[%dma_start3A_721, %dma_start3A_730, %dma_start3A_731] : memref<4x256x64xf32, #tpu.memory_space<vmem>> -> memref<1x256x64xf32, #tpu.memory_space<vmem>>
      %dma_start3A_733 = tpu.memref_squeeze %dma_start3A_732 : memref<1x256x64xf32, #tpu.memory_space<vmem>> -> memref<256x64xf32, #tpu.memory_space<vmem>>
      tpu.enqueue_dma source(%dma_start3A_733 : memref<256x64xf32, #tpu.memory_space<vmem>>) target(%dma_start3A_729 : memref<256x64xf32, #tpu.memory_space<hbm>>) target_semaphore(%arg12 : memref<!tpu.dma_semaphore, #tpu.memory_space<semaphore_mem>>)
    }
    %scan3A_181 = arith.constant 12 : i32
    %dma_wait3A_182 = arith.constant 100 : i32
    %dma_wait3A_183 = arith.constant 2 : i32
    %dma_wait3A_184 = arith.constant 0 : i32
    %dma_wait3A_185 = arith.constant 0 : i32
    %dma_wait3A_186 = tpu.memref_slice %arg6[%dma_wait3A_183, %dma_wait3A_184, %dma_wait3A_185] : memref<4x256x64xf32, #tpu.memory_space<vmem>> -> memref<1x128x64xf32, #tpu.memory_space<vmem>>
    %dma_wait3A_187 = tpu.memref_squeeze %dma_wait3A_186 : memref<1x128x64xf32, #tpu.memory_space<vmem>> -> memref<128x64xf32, #tpu.memory_space<vmem>>
    %dma_wait3A_188 = arith.constant 0 : i32
    %dma_wait3A_189 = tpu.memref_slice %arg5[%dma_wait3A_182, %dma_wait3A_188] : memref<104x128xi32, #tpu.memory_space<vmem>> -> memref<1x128xi32, #tpu.memory_space<vmem>>
    %dma_wait3A_190 = tpu.memref_squeeze %dma_wait3A_189 : memref<1x128xi32, #tpu.memory_space<vmem>> -> memref<128xi32, #tpu.memory_space<vmem>>
    %dma_wait3A_191 = arith.constant 0 : i32
    %dma_wait3A_192 = arith.constant 0 : i32
    %dma_wait3A_193 = tpu.memref_slice %arg2[%dma_wait3A_191, %dma_wait3A_192] : memref<1000000x64xf32, #tpu.memory_space<hbm>> -> memref<1000000x64xf32, #tpu.memory_space<hbm>>
    tpu.wait_indirect_dma semaphore(%arg9 : memref<!tpu.dma_semaphore, #tpu.memory_space<semaphore_mem>>) src(%dma_wait3A_193 : memref<1000000x64xf32, #tpu.memory_space<hbm>>) dst(%dma_wait3A_187 : memref<128x64xf32, #tpu.memory_space<vmem>>)
    %dma_wait3A_194 = arith.constant 101 : i32
    %dma_wait3A_195 = arith.constant 2 : i32
    %dma_wait3A_196 = arith.constant 128 : i32
    %dma_wait3A_197 = arith.constant 0 : i32
    %dma_wait3A_198 = tpu.memref_slice %arg6[%dma_wait3A_195, %dma_wait3A_196, %dma_wait3A_197] : memref<4x256x64xf32, #tpu.memory_space<vmem>> -> memref<1x128x64xf32, #tpu.memory_space<vmem>>
    %dma_wait3A_199 = tpu.memref_squeeze %dma_wait3A_198 : memref<1x128x64xf32, #tpu.memory_space<vmem>> -> memref<128x64xf32, #tpu.memory_space<vmem>>
    %dma_wait3A_200 = arith.constant 0 : i32
    %dma_wait3A_201 = tpu.memref_slice %arg5[%dma_wait3A_194, %dma_wait3A_200] : memref<104x128xi32, #tpu.memory_space<vmem>> -> memref<1x128xi32, #tpu.memory_space<vmem>>
    %dma_wait3A_202 = tpu.memref_squeeze %dma_wait3A_201 : memref<1x128xi32, #tpu.memory_space<vmem>> -> memref<128xi32, #tpu.memory_space<vmem>>
    %dma_wait3A_203 = arith.constant 0 : i32
    %dma_wait3A_204 = arith.constant 0 : i32
    %dma_wait3A_205 = tpu.memref_slice %arg2[%dma_wait3A_203, %dma_wait3A_204] : memref<1000000x64xf32, #tpu.memory_space<hbm>> -> memref<1000000x64xf32, #tpu.memory_space<hbm>>
    tpu.wait_indirect_dma semaphore(%arg9 : memref<!tpu.dma_semaphore, #tpu.memory_space<semaphore_mem>>) src(%dma_wait3A_205 : memref<1000000x64xf32, #tpu.memory_space<hbm>>) dst(%dma_wait3A_199 : memref<128x64xf32, #tpu.memory_space<vmem>>)
    %add3A_206 = arith.constant 12800 : i32
    %add3A_207 = arith.addi %mul3A_2, %add3A_206 : i32
    %multiple_of3A_208 = tpu.assume_multiple %add3A_207, 256 : i32
    %dma_start3A_209 = arith.constant 2 : i32
    %dma_start3A_210 = arith.constant 0 : i32
    %dma_start3A_211 = arith.constant 0 : i32
    %dma_start3A_212 = tpu.memref_slice %arg6[%dma_start3A_209, %dma_start3A_210, %dma_start3A_211] : memref<4x256x64xf32, #tpu.memory_space<vmem>> -> memref<1x256x64xf32, #tpu.memory_space<vmem>>
    %dma_start3A_213 = tpu.memref_squeeze %dma_start3A_212 : memref<1x256x64xf32, #tpu.memory_space<vmem>> -> memref<256x64xf32, #tpu.memory_space<vmem>>
    %dma_start3A_214 = arith.constant 0 : i32
    %dma_start3A_215 = tpu.memref_slice %arg4[%multiple_of3A_208, %dma_start3A_214] : memref<425984x128xf32, #tpu.memory_space<hbm>> -> memref<256x64xf32, #tpu.memory_space<hbm>>
    %dma_start3A_216 = arith.constant 0 : i32
    %dma_start3A_217 = tpu.memref_slice %arg4[%multiple_of3A_208, %dma_start3A_216] : memref<425984x128xf32, #tpu.memory_space<hbm>> -> memref<256x64xf32, #tpu.memory_space<hbm>>
    %dma_start3A_218 = arith.constant 0 : i32
    %dma_start3A_219 = arith.constant 0 : i32
    %dma_start3A_220 = tpu.memref_slice %arg6[%dma_start3A_209, %dma_start3A_218, %dma_start3A_219] : memref<4x256x64xf32, #tpu.memory_space<vmem>> -> memref<1x256x64xf32, #tpu.memory_space<vmem>>
    %dma_start3A_221 = tpu.memref_squeeze %dma_start3A_220 : memref<1x256x64xf32, #tpu.memory_space<vmem>> -> memref<256x64xf32, #tpu.memory_space<vmem>>
    tpu.enqueue_dma source(%dma_start3A_221 : memref<256x64xf32, #tpu.memory_space<vmem>>) target(%dma_start3A_217 : memref<256x64xf32, #tpu.memory_space<hbm>>) target_semaphore(%arg13 : memref<!tpu.dma_semaphore, #tpu.memory_space<semaphore_mem>>)
    %dma_wait3A_222 = arith.constant 102 : i32
    %dma_wait3A_223 = arith.constant 3 : i32
    %dma_wait3A_224 = arith.constant 0 : i32
    %dma_wait3A_225 = arith.constant 0 : i32
    %dma_wait3A_226 = tpu.memref_slice %arg6[%dma_wait3A_223, %dma_wait3A_224, %dma_wait3A_225] : memref<4x256x64xf32, #tpu.memory_space<vmem>> -> memref<1x128x64xf32, #tpu.memory_space<vmem>>
    %dma_wait3A_227 = tpu.memref_squeeze %dma_wait3A_226 : memref<1x128x64xf32, #tpu.memory_space<vmem>> -> memref<128x64xf32, #tpu.memory_space<vmem>>
    %dma_wait3A_228 = arith.constant 0 : i32
    %dma_wait3A_229 = tpu.memref_slice %arg5[%dma_wait3A_222, %dma_wait3A_228] : memref<104x128xi32, #tpu.memory_space<vmem>> -> memref<1x128xi32, #tpu.memory_space<vmem>>
    %dma_wait3A_230 = tpu.memref_squeeze %dma_wait3A_229 : memref<1x128xi32, #tpu.memory_space<vmem>> -> memref<128xi32, #tpu.memory_space<vmem>>
    %dma_wait3A_231 = arith.constant 0 : i32
    %dma_wait3A_232 = arith.constant 0 : i32
    %dma_wait3A_233 = tpu.memref_slice %arg2[%dma_wait3A_231, %dma_wait3A_232] : memref<1000000x64xf32, #tpu.memory_space<hbm>> -> memref<1000000x64xf32, #tpu.memory_space<hbm>>
    tpu.wait_indirect_dma semaphore(%arg10 : memref<!tpu.dma_semaphore, #tpu.memory_space<semaphore_mem>>) src(%dma_wait3A_233 : memref<1000000x64xf32, #tpu.memory_space<hbm>>) dst(%dma_wait3A_227 : memref<128x64xf32, #tpu.memory_space<vmem>>)
    %dma_wait3A_234 = arith.constant 103 : i32
    %dma_wait3A_235 = arith.constant 3 : i32
    %dma_wait3A_236 = arith.constant 128 : i32
    %dma_wait3A_237 = arith.constant 0 : i32
    %dma_wait3A_238 = tpu.memref_slice %arg6[%dma_wait3A_235, %dma_wait3A_236, %dma_wait3A_237] : memref<4x256x64xf32, #tpu.memory_space<vmem>> -> memref<1x128x64xf32, #tpu.memory_space<vmem>>
    %dma_wait3A_239 = tpu.memref_squeeze %dma_wait3A_238 : memref<1x128x64xf32, #tpu.memory_space<vmem>> -> memref<128x64xf32, #tpu.memory_space<vmem>>
    %dma_wait3A_240 = arith.constant 0 : i32
    %dma_wait3A_241 = tpu.memref_slice %arg5[%dma_wait3A_234, %dma_wait3A_240] : memref<104x128xi32, #tpu.memory_space<vmem>> -> memref<1x128xi32, #tpu.memory_space<vmem>>
    %dma_wait3A_242 = tpu.memref_squeeze %dma_wait3A_241 : memref<1x128xi32, #tpu.memory_space<vmem>> -> memref<128xi32, #tpu.memory_space<vmem>>
    %dma_wait3A_243 = arith.constant 0 : i32
    %dma_wait3A_244 = arith.constant 0 : i32
    %dma_wait3A_245 = tpu.memref_slice %arg2[%dma_wait3A_243, %dma_wait3A_244] : memref<1000000x64xf32, #tpu.memory_space<hbm>> -> memref<1000000x64xf32, #tpu.memory_space<hbm>>
    tpu.wait_indirect_dma semaphore(%arg10 : memref<!tpu.dma_semaphore, #tpu.memory_space<semaphore_mem>>) src(%dma_wait3A_245 : memref<1000000x64xf32, #tpu.memory_space<hbm>>) dst(%dma_wait3A_239 : memref<128x64xf32, #tpu.memory_space<vmem>>)
    %add3A_246 = arith.constant 13056 : i32
    %add3A_247 = arith.addi %mul3A_2, %add3A_246 : i32
    %multiple_of3A_248 = tpu.assume_multiple %add3A_247, 256 : i32
    %dma_start3A_249 = arith.constant 3 : i32
    %dma_start3A_250 = arith.constant 0 : i32
    %dma_start3A_251 = arith.constant 0 : i32
    %dma_start3A_252 = tpu.memref_slice %arg6[%dma_start3A_249, %dma_start3A_250, %dma_start3A_251] : memref<4x256x64xf32, #tpu.memory_space<vmem>> -> memref<1x256x64xf32, #tpu.memory_space<vmem>>
    %dma_start3A_253 = tpu.memref_squeeze %dma_start3A_252 : memref<1x256x64xf32, #tpu.memory_space<vmem>> -> memref<256x64xf32, #tpu.memory_space<vmem>>
    %dma_start3A_254 = arith.constant 0 : i32
    %dma_start3A_255 = tpu.memref_slice %arg4[%multiple_of3A_248, %dma_start3A_254] : memref<425984x128xf32, #tpu.memory_space<hbm>> -> memref<256x64xf32, #tpu.memory_space<hbm>>
    %dma_start3A_256 = arith.constant 0 : i32
    %dma_start3A_257 = tpu.memref_slice %arg4[%multiple_of3A_248, %dma_start3A_256] : memref<425984x128xf32, #tpu.memory_space<hbm>> -> memref<256x64xf32, #tpu.memory_space<hbm>>
    %dma_start3A_258 = arith.constant 0 : i32
    %dma_start3A_259 = arith.constant 0 : i32
    %dma_start3A_260 = tpu.memref_slice %arg6[%dma_start3A_249, %dma_start3A_258, %dma_start3A_259] : memref<4x256x64xf32, #tpu.memory_space<vmem>> -> memref<1x256x64xf32, #tpu.memory_space<vmem>>
    %dma_start3A_261 = tpu.memref_squeeze %dma_start3A_260 : memref<1x256x64xf32, #tpu.memory_space<vmem>> -> memref<256x64xf32, #tpu.memory_space<vmem>>
    tpu.enqueue_dma source(%dma_start3A_261 : memref<256x64xf32, #tpu.memory_space<vmem>>) target(%dma_start3A_257 : memref<256x64xf32, #tpu.memory_space<hbm>>) target_semaphore(%arg14 : memref<!tpu.dma_semaphore, #tpu.memory_space<semaphore_mem>>)
    %add3A_262 = arith.constant 12288 : i32
    %add3A_263 = arith.addi %mul3A_2, %add3A_262 : i32
    %multiple_of3A_264 = tpu.assume_multiple %add3A_263, 256 : i32
    %dma_wait3A_265 = arith.constant 0 : i32
    %dma_wait3A_266 = arith.constant 0 : i32
    %dma_wait3A_267 = arith.constant 0 : i32
    %dma_wait3A_268 = tpu.memref_slice %arg6[%dma_wait3A_265, %dma_wait3A_266, %dma_wait3A_267] : memref<4x256x64xf32, #tpu.memory_space<vmem>> -> memref<1x256x64xf32, #tpu.memory_space<vmem>>
    %dma_wait3A_269 = tpu.memref_squeeze %dma_wait3A_268 : memref<1x256x64xf32, #tpu.memory_space<vmem>> -> memref<256x64xf32, #tpu.memory_space<vmem>>
    %dma_wait3A_270 = arith.constant 0 : i32
    %dma_wait3A_271 = tpu.memref_slice %arg4[%multiple_of3A_264, %dma_wait3A_270] : memref<425984x128xf32, #tpu.memory_space<hbm>> -> memref<256x64xf32, #tpu.memory_space<hbm>>
    %dma_wait3A_272 = arith.constant 0 : i32
    %dma_wait3A_273 = tpu.memref_slice %arg4[%multiple_of3A_264, %dma_wait3A_272] : memref<425984x128xf32, #tpu.memory_space<hbm>> -> memref<256x64xf32, #tpu.memory_space<hbm>>
    %dma_wait3A_274 = arith.constant 0 : i32
    %dma_wait3A_275 = arith.constant 0 : i32
    %dma_wait3A_276 = tpu.memref_slice %arg6[%dma_wait3A_265, %dma_wait3A_274, %dma_wait3A_275] : memref<4x256x64xf32, #tpu.memory_space<vmem>> -> memref<1x256x64xf32, #tpu.memory_space<vmem>>
    %dma_wait3A_277 = tpu.memref_squeeze %dma_wait3A_276 : memref<1x256x64xf32, #tpu.memory_space<vmem>> -> memref<256x64xf32, #tpu.memory_space<vmem>>
    tpu.wait_dma2 semaphore(%arg11 : memref<!tpu.dma_semaphore, #tpu.memory_space<semaphore_mem>>) src(%dma_wait3A_277 : memref<256x64xf32, #tpu.memory_space<vmem>>) dst(%dma_wait3A_273 : memref<256x64xf32, #tpu.memory_space<hbm>>)
    %add3A_278 = arith.constant 12544 : i32
    %add3A_279 = arith.addi %mul3A_2, %add3A_278 : i32
    %multiple_of3A_280 = tpu.assume_multiple %add3A_279, 256 : i32
    %dma_wait3A_281 = arith.constant 1 : i32
    %dma_wait3A_282 = arith.constant 0 : i32
    %dma_wait3A_283 = arith.constant 0 : i32
    %dma_wait3A_284 = tpu.memref_slice %arg6[%dma_wait3A_281, %dma_wait3A_282, %dma_wait3A_283] : memref<4x256x64xf32, #tpu.memory_space<vmem>> -> memref<1x256x64xf32, #tpu.memory_space<vmem>>
    %dma_wait3A_285 = tpu.memref_squeeze %dma_wait3A_284 : memref<1x256x64xf32, #tpu.memory_space<vmem>> -> memref<256x64xf32, #tpu.memory_space<vmem>>
    %dma_wait3A_286 = arith.constant 0 : i32
    %dma_wait3A_287 = tpu.memref_slice %arg4[%multiple_of3A_280, %dma_wait3A_286] : memref<425984x128xf32, #tpu.memory_space<hbm>> -> memref<256x64xf32, #tpu.memory_space<hbm>>
    %dma_wait3A_288 = arith.constant 0 : i32
    %dma_wait3A_289 = tpu.memref_slice %arg4[%multiple_of3A_280, %dma_wait3A_288] : memref<425984x128xf32, #tpu.memory_space<hbm>> -> memref<256x64xf32, #tpu.memory_space<hbm>>
    %dma_wait3A_290 = arith.constant 0 : i32
    %dma_wait3A_291 = arith.constant 0 : i32
    %dma_wait3A_292 = tpu.memref_slice %arg6[%dma_wait3A_281, %dma_wait3A_290, %dma_wait3A_291] : memref<4x256x64xf32, #tpu.memory_space<vmem>> -> memref<1x256x64xf32, #tpu.memory_space<vmem>>
    %dma_wait3A_293 = tpu.memref_squeeze %dma_wait3A_292 : memref<1x256x64xf32, #tpu.memory_space<vmem>> -> memref<256x64xf32, #tpu.memory_space<vmem>>
    tpu.wait_dma2 semaphore(%arg12 : memref<!tpu.dma_semaphore, #tpu.memory_space<semaphore_mem>>) src(%dma_wait3A_293 : memref<256x64xf32, #tpu.memory_space<vmem>>) dst(%dma_wait3A_289 : memref<256x64xf32, #tpu.memory_space<hbm>>)
    %add3A_294 = arith.constant 12800 : i32
    %add3A_295 = arith.addi %mul3A_2, %add3A_294 : i32
    %multiple_of3A_296 = tpu.assume_multiple %add3A_295, 256 : i32
    %dma_wait3A_297 = arith.constant 2 : i32
    %dma_wait3A_298 = arith.constant 0 : i32
    %dma_wait3A_299 = arith.constant 0 : i32
    %dma_wait3A_300 = tpu.memref_slice %arg6[%dma_wait3A_297, %dma_wait3A_298, %dma_wait3A_299] : memref<4x256x64xf32, #tpu.memory_space<vmem>> -> memref<1x256x64xf32, #tpu.memory_space<vmem>>
    %dma_wait3A_301 = tpu.memref_squeeze %dma_wait3A_300 : memref<1x256x64xf32, #tpu.memory_space<vmem>> -> memref<256x64xf32, #tpu.memory_space<vmem>>
    %dma_wait3A_302 = arith.constant 0 : i32
    %dma_wait3A_303 = tpu.memref_slice %arg4[%multiple_of3A_296, %dma_wait3A_302] : memref<425984x128xf32, #tpu.memory_space<hbm>> -> memref<256x64xf32, #tpu.memory_space<hbm>>
    %dma_wait3A_304 = arith.constant 0 : i32
    %dma_wait3A_305 = tpu.memref_slice %arg4[%multiple_of3A_296, %dma_wait3A_304] : memref<425984x128xf32, #tpu.memory_space<hbm>> -> memref<256x64xf32, #tpu.memory_space<hbm>>
    %dma_wait3A_306 = arith.constant 0 : i32
    %dma_wait3A_307 = arith.constant 0 : i32
    %dma_wait3A_308 = tpu.memref_slice %arg6[%dma_wait3A_297, %dma_wait3A_306, %dma_wait3A_307] : memref<4x256x64xf32, #tpu.memory_space<vmem>> -> memref<1x256x64xf32, #tpu.memory_space<vmem>>
    %dma_wait3A_309 = tpu.memref_squeeze %dma_wait3A_308 : memref<1x256x64xf32, #tpu.memory_space<vmem>> -> memref<256x64xf32, #tpu.memory_space<vmem>>
    tpu.wait_dma2 semaphore(%arg13 : memref<!tpu.dma_semaphore, #tpu.memory_space<semaphore_mem>>) src(%dma_wait3A_309 : memref<256x64xf32, #tpu.memory_space<vmem>>) dst(%dma_wait3A_305 : memref<256x64xf32, #tpu.memory_space<hbm>>)
    %add3A_310 = arith.constant 13056 : i32
    %add3A_311 = arith.addi %mul3A_2, %add3A_310 : i32
    %multiple_of3A_312 = tpu.assume_multiple %add3A_311, 256 : i32
    %dma_wait3A_313 = arith.constant 3 : i32
    %dma_wait3A_314 = arith.constant 0 : i32
    %dma_wait3A_315 = arith.constant 0 : i32
    %dma_wait3A_316 = tpu.memref_slice %arg6[%dma_wait3A_313, %dma_wait3A_314, %dma_wait3A_315] : memref<4x256x64xf32, #tpu.memory_space<vmem>> -> memref<1x256x64xf32, #tpu.memory_space<vmem>>
    %dma_wait3A_317 = tpu.memref_squeeze %dma_wait3A_316 : memref<1x256x64xf32, #tpu.memory_space<vmem>> -> memref<256x64xf32, #tpu.memory_space<vmem>>
    %dma_wait3A_318 = arith.constant 0 : i32
    %dma_wait3A_319 = tpu.memref_slice %arg4[%multiple_of3A_312, %dma_wait3A_318] : memref<425984x128xf32, #tpu.memory_space<hbm>> -> memref<256x64xf32, #tpu.memory_space<hbm>>
    %dma_wait3A_320 = arith.constant 0 : i32
    %dma_wait3A_321 = tpu.memref_slice %arg4[%multiple_of3A_312, %dma_wait3A_320] : memref<425984x128xf32, #tpu.memory_space<hbm>> -> memref<256x64xf32, #tpu.memory_space<hbm>>
    %dma_wait3A_322 = arith.constant 0 : i32
    %dma_wait3A_323 = arith.constant 0 : i32
    %dma_wait3A_324 = tpu.memref_slice %arg6[%dma_wait3A_313, %dma_wait3A_322, %dma_wait3A_323] : memref<4x256x64xf32, #tpu.memory_space<vmem>> -> memref<1x256x64xf32, #tpu.memory_space<vmem>>
    %dma_wait3A_325 = tpu.memref_squeeze %dma_wait3A_324 : memref<1x256x64xf32, #tpu.memory_space<vmem>> -> memref<256x64xf32, #tpu.memory_space<vmem>>
    tpu.wait_dma2 semaphore(%arg14 : memref<!tpu.dma_semaphore, #tpu.memory_space<semaphore_mem>>) src(%dma_wait3A_325 : memref<256x64xf32, #tpu.memory_space<vmem>>) dst(%dma_wait3A_321 : memref<256x64xf32, #tpu.memory_space<hbm>>)
    return
  }
}

</mosaic_0001>

<sc_bundles>
// kernel: kernel.3.cloned.1.call-start
scs
__scs_entry_jumppad:
0x0: {  	(pc) =	sbr.rel $0x88, $3  }
0x1: {  	(tag) =	ssettag $0x0;
	lr =	simm.s32 $0x1  }
0x2: {  	[smem:$0x3F9F] =	sst lr;
	_ =	strace $0xD0000000  }
0x3: {  	_ = 	snop  }
0x4: {  	_ = 	snop  }
0x5: {  	_ = 	snop  }
0x6: {  	_ = 	snop  }
0x7: {  	_ = 	snop  }
__scs_overlays_trampoline_lowered:
0x8: {  	[smem:$0x3FAE] =	sst s0  }
0x9: {  	[smem:$0x3FAF] =	sst s1  }
0xa: {  	[smem:$0x3FB0] =	sst s2  }
0xb: {  	[smem:$0x3FB1] =	sst s3  }
0xc: {  	[smem:$0x3FB2] =	sst s4  }
0xd: {  	[smem:$0x3FB3] =	sst s5  }
0xe: {  	[smem:$0x3FB4] =	sst s6  }
0xf: {  	[smem:$0x3FB5] =	sst s7  }
0x10: {  	[smem:$0x3FB6] =	sst s8  }
0x11: {  	[smem:$0x3FB7] =	sst s9;
	s0 =	simm.s32 @!p0 $0x0  }
0x12: {  	s1 =	sld [smem:$0x3F9D];
	s0 =	simm.s32 @p0 $0x1  }
0x13: {  	[smem:$0x3FB8] =	sst s0;
	s0 =	simm.s32 @!p1 $0x0  }
0x14: {  	s2 =	sld [smem:$0x3F9C];
	s0 =	simm.s32 @p1 $0x1  }
0x15: {  	[smem:$0x3FB9] =	sst s0;
	s0 =	simm.s32 @!p2 $0x0  }
0x16: {  	s3 =	sld [smem:$0x3FDB];
	s0 =	simm.s32 @p2 $0x1  }
0x17: {  	s4 =	simm.s32 $0x1BF5;
	[smem:$0x3FBB] =	sst s0  }
0x18: {  	s0 =	sld [smem:$0x3F9E];
	_ =	swait.ge [sflag:s4], $0x0  }
0x19: {  	s7 =	sld [smem:$0x3F9F]  }
0x1a: {  	s8 =	sadd.s32 $0xFFFFE003, lr  }
0x1b: {  	s9 =	sadd.s32 $0xFFFFFEF7, lr;
	s5 =	simm.s32 $0xFFFFFFFF;
	p2 =	slt.u32 s8, $0xFFFFF086  }
0x1c: {  	p1 =	slt.u32 s9, $0xF7A;
	s5 =	simm.s32 @!p2 $0x0  }
0x1d: {  	s5 =	simm.s32 @p1 $0x1;
	p0 =	seq.s32 s7, s2  }
0x1e: {  	s7 =	smul.u32 @!p0 $0xF7A, s2;
	p2 =	seq.s32 @!p0 s5, $0x0  }
0x1f: {  	s9 =	smul.u32 $0xF7A, s1;
	s8 =	simm.s32 @!p0 $0x1BF5;
	p2 =	por !p2, p0  }
0x20: {  	[sflag:s8] =	ssyncset.s32 @!p0 $0xFFFFF086;
	s6 =	sadd.s32 @!p0 s3, s7;
	s7 =	simm.s32 @!p0 $0x108  }
0x21: {  	s3 =	sadd.s32 s3, s9;
	s6 =	sadd.s32 @!p0 $0x88, s6;
	s7 =	simm.s32 @p2 $0x1082  }
0x22: {  	[simem:s7], [sflag:s8] =	dma.local @!p0 [hbm:s6], $0xF7A  }
0x23: {  	s9 =	sor.u32 $0xD0000000, s2;
	s6 =	simm.s32 $0x108;
	_ =	swait.ge @!p0 [sflag:s8], $0x0  }
0x24: {  	s3 =	sadd.s32 $0x88, s3;
	s6 =	simm.s32 @!p1 $0x1082;
	[sflag:s4] =	ssyncset.s32 $0xFFFFF086  }
0x25: {  	[simem:s6], [sflag:s4] =	dma.local [hbm:s3], $0xF7A  }
0x26: {  	[smem:$0x3F9F] =	sst s1;
	(tag) =	ssettag s2;
	_ =	strace s9  }
0x27: {  	s1 =	sld [smem:$0x3FAF]  }
0x28: {  	s2 =	sld [smem:$0x3FB0]  }
0x29: {  	s4 =	sld [smem:$0x3FB2]  }
0x2a: {  	p0 =	seq.s32 s5, $0x0;
	s5 =	sld [smem:$0x3FB3]  }
0x2b: {  	s6 =	sld [smem:$0x3FB4]  }
0x2c: {  	s7 =	sld [smem:$0x3FB5]  }
0x2d: {  	s3 =	simm.s32 $0x108;
	s8 =	sld [smem:$0x3FB6]  }
0x2e: {  	s3 =	simm.s32 @!p0 $0x1082;
	s9 =	sld [smem:$0x3FB7]  }
0x2f: {  	lr =	sadd.s32 s0, s3;
	s0 =	sld [smem:$0x3FAE]  }
0x30: {  	s3 =	sld [smem:$0x3FB1]  }
0x31: {  	[smem:$0x3FBA] =	sst s10  }
0x32: {  	s10 =	sld [smem:$0x3FB8];
	_ =	sdelay $0x3  }
0x33: {  	p0 =	seq.s32 s10, $0x1;
	s10 =	sld [smem:$0x3FBA];
	_ =	sdelay $0x3  }
0x34: {  	[smem:$0x3FBA] =	sst s10  }
0x35: {  	s10 =	sld [smem:$0x3FB9];
	_ =	sdelay $0x3  }
0x36: {  	p1 =	seq.s32 s10, $0x1;
	s10 =	sld [smem:$0x3FBA];
	_ =	sdelay $0x3  }
0x37: {  	[smem:$0x3FBA] =	sst s10  }
0x38: {  	s10 =	sld [smem:$0x3FBB]  }
0x39: {  	_ = 	snop;
	(pc) =	sbr.ind lr, $3  }
0x3a: {  	_ = 	snop  }
0x3b: {  	_ = 	snop  }
0x3c: {  	p2 =	seq.s32 s10, $0x1;
	s10 =	sld [smem:$0x3FBA]  }
0x3d: {  	_ =	shalt  }
0x3e: {  	_ =	shalt  }
0x3f: {  	_ =	shalt  }
0x40: {  	_ =	shalt  }
0x41: {  	_ =	shalt  }
0x42: {  	_ =	shalt  }
0x43: {  	_ =	shalt  }
0x44: {  	_ =	shalt  }
0x45: {  	_ =	shalt  }
0x46: {  	_ =	shalt  }
0x47: {  	_ =	shalt  }
0x48: {  	_ =	shalt  }
0x49: {  	_ =	shalt  }
0x4a: {  	_ =	shalt  }
0x4b: {  	_ =	shalt  }
0x4c: {  	_ =	shalt  }
0x4d: {  	_ =	shalt  }
0x4e: {  	_ =	shalt  }
0x4f: {  	_ =	shalt  }
0x50: {  	_ =	shalt  }
0x51: {  	_ =	shalt  }
0x52: {  	_ =	shalt  }
0x53: {  	_ =	shalt  }
0x54: {  	_ =	shalt  }
0x55: {  	_ =	shalt  }
0x56: {  	_ =	shalt  }
0x57: {  	_ =	shalt  }
0x58: {  	_ =	shalt  }
0x59: {  	_ =	shalt  }
0x5a: {  	_ =	shalt  }
0x5b: {  	_ =	shalt  }
0x5c: {  	_ =	shalt  }
0x5d: {  	_ =	shalt  }
0x5e: {  	_ =	shalt  }
0x5f: {  	_ =	shalt  }
0x60: {  	_ =	shalt  }
0x61: {  	_ =	shalt  }
0x62: {  	_ =	shalt  }
0x63: {  	_ =	shalt  }
0x64: {  	_ =	shalt  }
0x65: {  	_ =	shalt  }
0x66: {  	_ =	shalt  }
0x67: {  	_ =	shalt  }
0x68: {  	_ =	shalt  }
0x69: {  	_ =	shalt  }
0x6a: {  	_ =	shalt  }
0x6b: {  	_ =	shalt  }
0x6c: {  	_ =	shalt  }
0x6d: {  	_ =	shalt  }
0x6e: {  	_ =	shalt  }
0x6f: {  	_ =	shalt  }
0x70: {  	_ =	shalt  }
0x71: {  	_ =	shalt  }
0x72: {  	_ =	shalt  }
0x73: {  	_ =	shalt  }
0x74: {  	_ =	shalt  }
0x75: {  	_ =	shalt  }
0x76: {  	_ =	shalt  }
0x77: {  	_ =	shalt  }
0x78: {  	_ =	shalt  }
0x79: {  	_ =	shalt  }
0x7a: {  	_ =	shalt  }
0x7b: {  	_ =	shalt  }
0x7c: {  	_ =	shalt  }
0x7d: {  	_ =	shalt  }
0x7e: {  	_ =	shalt  }
0x7f: {  	_ =	shalt  }
0x80: {  	_ =	shalt  }
0x81: {  	_ =	shalt  }
0x82: {  	_ =	shalt  }
0x83: {  	_ =	shalt  }
0x84: {  	_ =	shalt  }
0x85: {  	_ =	shalt  }
0x86: {  	_ =	shalt  }
0x87: {  	_ =	shalt  }
.Lfunc_end0:
.L_simem_size_0:
called_computation.1_lowered:
.L_overlay_start_0:
0x88: {  	s2 =	sld [smem:$0x3FD9]  }
0x89: {  	s3 =	sld [smem:$0x3FFE];
	_ =	sdelay $0x1  }
0x8a: {  	s1 =	srdreg.scid  }
0x8b: {  	s0 =	sand.u32 $0x1, s1  }
0x8c: {  	s17 =	sshll.u32 s0, $0xA;
	s2 =	sadd.s32 s3, s2  }
0x8d: {  	s2 =	sadd.s32 s2, s17  }
0x8e: {  	[smem:$0x3FC6] =	sst s2  }
0x8f: {  	_ = 	snop  }
0x90: {  	s2 =	sld [smem:$0x3FD0];
	(tm) =	ssettm $0x1  }
0x91: {  	s18 =	sld [smem:$0x3FFB];
	_ =	sdelay $0x3  }
0x92: {  	_ =	strace s18  }
0x93: {  	s3 =	sld [smem:$0x3FFC];
	_ =	sdelay $0x3  }
0x94: {  	_ =	strace s3  }
0x95: {  	s3 =	sld [smem:$0x3FFD];
	_ =	sdelay $0x3  }
0x96: {  	_ =	strace s3  }
0x97: {  	_ =	strace $0x8FFFFFFF  }
0x98: {  	s19 =	sld [smem:$0x3FDB];
	_ =	sdelay $0x1  }
0x99: {  	s4 =	simm.s32 $_scs_section_size  }
0x9a: {  	s5 =	simm.s32 $_size__tile_overlayer_lowered;
	s6 =	simm.s32 $_tile_overlayer_lowered  }
0x9b: {  	s22 =	simm.s32 $0x1BFF;
	s21 =	sshll.u32 s6, $0x1;
	s3 =	sadd.s32 s4, s19  }
0x9c: {  	s7 =	simm.s32 $0x0;
	s20 =	sshll.u32 s5, $0x1;
	s5 =	sadd.s32 s21, s3  }
0x9d: {  	[timem:s7], [sflag:s22] =	dma.local [hbm:s5], s20  }
0x9e: {  	_ =	swait.ge [sflag:s22], s20  }
0x9f: {  	s4 =	ssub.s32 $0x0, s20;
	[sflag:s22] =	ssyncset.done $0x0  }
0xa0: {  	[sflag:s22] =	ssyncadd.s32 s4;
	_ =	sdelay $0x1  }
0xa1: {  	s23 =	simm.s32 $0x1B8B  }
0xa2: {  	_ =	swait.ge [sflag:s23], $0x1  }
0xa3: {  	[sflag:s23] =	ssyncset.done $0x0  }
0xa4: {  	s25 =	simm.s32 $0x1B8E;
	s24 =	sld [smem:$0x3FFE];
	[sflag:s23] =	ssyncadd.s32 $0xFFFFFFFF  }
0xa5: {  	s26 =	simm.s32 $execute0_lowered;
	[smem:$0x3FD2] =	sst s25  }
0xa6: {  	s5 =	sshll.u32 s26, $0x1;
	_ =	strace $0x80000046;
	[dreg:$0x1] =	wrdreg $0xFFFFFFFF  }
0xa7: {  	s28 =	simm.s32 $_size_execute0_lowered;
	s3 =	sadd.s32 s3, s5;
	[dreg:$0x0] =	wrdreg $0x0  }
0xa8: {  	s5 =	sshll.u32 s28, $0x1;
	[dreg:$0x2] =	wrdreg s3  }
0xa9: {  	[dreg:$0x3] =	wrdreg s5  }
0xaa: {  	[dreg:$0x4] =	wrdreg $0xC0  }
0xab: {  	_ =	task [dreg:s7], $0x5FFFF  }
0xac: {  	[dreg:$0x1] =	wrdreg $0xFFFFFFFF  }
0xad: {  	[dreg:$0x0] =	wrdreg $0x60  }
0xae: {  	[dreg:$0x2] =	wrdreg s24  }
0xaf: {  	[dreg:$0x3] =	wrdreg s2  }
0xb0: {  	[dreg:$0x4] =	wrdreg $0x9  }
0xb1: {  	_ =	task.clear_ibuf [dreg:s7], $0x5FFFF;
	_ =	strace $0x90000046  }
0xb2: {  	s29 =	simm.s32 $0x9;
	_ =	strace $0x80000048  }
0xb3: {  	_ =	swait.ge [sflag:s29], $0x1  }
0xb4: {  	[sflag:s29] =	ssyncadd.s32 $0xFFFFFFFF  }
0xb5: {  	_ =	strace $0x90000048  }
0xb6: {  	_ =	sfence  }
0xb7: {  	s30 =	sld [smem:$0x0];
	_ =	sdelay $0x2  }
0xb8: {  	s31 =	sshll.u32 s1, $0xD;
	s1 =	sshrl.u32 s1, $0x2  }
0xb9: {  	s3 =	sand.u32 $0x4000, s31;
	s1 =	sadd.s32 s1, s30  }
0xba: {  	s0 =	sor.u32 s3, s0;
	s1 =	sshll.u32 s1, $0x11  }
0xbb: {  	s0 =	sor.u32 s1, s0  }
0xbc: {  	s0 =	sadd.s32 $0x8F2B, s0  }
0xbd: {  	[sflag:s0] =	ssyncadd.remote.s32 $0x1  }
0xbe: {  	_ =	sfence.sel $0xFFFF  }
0xbf: {  	[dreg:$0x0] =	wrdreg $0xFFFFFFFF;
	(pc) =	sbr.abs _section_cstart, $3  }
0xc0: {  	[dreg:$0x1] =	wrdreg $0xFFFFFFFF  }
0xc1: {  	_ =	task.clear_ibuf [dreg:s7], $0x2FFFF;
	_ =	strace $0x9FFFFFFF  }
0xc2: {  	(tm) =	ssettm $0x7FFFFFFF  }
0xc3: {  	_ =	shalt  }
tec
execute0_lowered:
.L_overlay_start_1:
0x0: {  	(tag) =	ssettag $0x1  }
0x1: {  	s0 =	rddreg [dreg:$0x0];
	s1 =	srdreg.scid  }
0x2: {  	s10 =	stileid.u32;
	s2 =	rddreg [dreg:$0x1]  }
0x3: {  	s5 =	simm.s32 $0x0;
	s28 =	simm.s32 $0x1;
	s9 =	smul.u32 $0x340000, s10  }
0x4: {  	s29 =	simm.s32 $0x40;
	s1 =	sand.u32 $0x1, s1;
	s18 =	smul.u32 $0x6800, s10  }
0x5: {  	s3 =	sshll.u32 s10, $0x1;
	[smem:$0x7FF] =	sst s5;
	s21 =	smul.u32 $0x3400, s1  }
0x6: {  	s4 =	sor.u32 s1, s3;
	s7 =	ssub.s32 $0x2, s1;
	s1 =	smul.u32 $0x1A0000, s1  }
0x7: {  	s31 =	simm.s32 $0xF400;
	_ =	strace $0x80000047;
	s16 =	smul.u32 $0x680, s4  }
0x8: {  	s30 =	simm.s32 $0x4;
	s3 =	sadd.s32 $0xF42E00, s0;
	s6 =	smul.u32 $0x34000, s4  }
0x9: {  	s8 =	smul.u32 $0x1A0000, s4;
	s4 =	sadd.s32 $0xA00, s0;
	s17 =	sshrl.u32 s7, $0x1  }
0xa: {  	s0 =	ssub.s32 s7, s17;
	s23 =	sadd.s32 s1, s9;
	s17 =	simm.s32 $0x3400  }
0xb: {  	s2 =	sadd.s32 s2, s16;
	s19 =	sadd.s32 s4, s6;
	s20 =	sshrl.u32 s8, $0x3  }
0xc: {  	s0 =	smax.u32 s0, $0x1;
	s25 =	sadd.s32 $0x20000, s23;
	[dreg:$0x3] =	wrdreg s2  }
0xd: {  	s16 =	simm.s32 $0x80;
	[dreg:$0x4] =	wrdreg s19;
	s7 =	sadd.s32 $0x1000, s19  }
0xe: {  	s5 =	sadd.s32 s4, s20;
	s2 =	sadd.s32 s21, s18;
	[dreg:$0x8] =	wrdreg s0  }
0xf: {  	[dreg:$0x9] =	wrdreg s25;
	s0 =	sadd.s32 $0x28000, s23;
	s18 =	simm.s32 $0x5400  }
0x10: {  	s20 =	simm.s32 $0x7400;
	s19 =	simm.s32 $0x2;
	s21 =	simm.s32 $0x5  }
0x11: {  	s23 =	simm.s32 $0x3;
	s25 =	simm.s32 $0x6;
	[dreg:$0x5] =	wrdreg s7  }
0x12: {  	s22 =	sadd.s32 $0x32000, s5;
	s5 =	sadd.s32 $0x33000, s5;
	s24 =	sshll.u32 s2, $0x4  }
0x13: {  	s0 =	sshrl.u32 s0, $0x3;
	s2 =	simm.s32 $0x8;
	[dreg:$0x6] =	wrdreg s22  }
0x14: {  	[dreg:$0x7] =	wrdreg s5;
	s1 =	sadd.s32 s24, s4;
	s15 =	sadd.s32 s0, s4  }
0x15: {  	s22 =	simm.s32 $0x9400;
	s24 =	simm.s32 $0xB400;
	s0 =	simm.s32 $0x11400  }
0x16: {  	s5 =	simm.s32 $0x0;
	s26 =	sadd.s32 $0x3000, s1;
	s13 =	sadd.s32 $0x2000, s1  }
0x17: {  	s1 =	simm.s32 $0x7;
	[dreg:$0xa] =	wrdreg s26;
	s26 =	simm.s32 $0xD400  }
.LBB2_1:
0x18: {  	s6 =	simm.s32 $0x0;
	s7 =	rddreg [dreg:$0x3];
	s8 =	simm.s32 $0x9  }
0x19: {  	[tilespmem:s6], [sflag:$0x9] =	stream.linear.gather [hbm4b:s7+s6], $0x3400, $0x38;
	[tilespmem:$0x13400] =	vst v63  }
0x1a: {  	_ =	swait.ge [sflag:s8], $0x3400  }
0x1b: {  	[sflag:s8] =	ssyncset.done $0x0  }
0x1c: {  	[sflag:s8] =	ssyncadd.s32 $0xFFFFCC00  }
0x1d: {  	[tilespmem:s17], [sflag:$0x1] =	stream.indirect.gather [hbm4b:s3+s16], $0x40, s6, s16, $0xb8;
	[tilespmem:$0x13400] =	vst v63  }
0x1e: {  	_ = 	snop  }
0x1f: {  	[tilespmem:s18], [sflag:$0x1] =	stream.indirect.gather [hbm4b:s3+s16], $0x40, s16, s16, $0xb8;
	[tilespmem:$0x13400] =	vst v63  }
0x20: {  	s9 =	simm.s32 $0x100  }
0x21: {  	[tilespmem:s20], [sflag:$0x2] =	stream.indirect.gather [hbm4b:s3+s16], $0x40, s9, s16, $0xb8;
	[tilespmem:$0x13400] =	vst v63  }
0x22: {  	s10 =	simm.s32 $0x180  }
0x23: {  	[tilespmem:s22], [sflag:$0x2] =	stream.indirect.gather [hbm4b:s3+s16], $0x40, s10, s16, $0xb8;
	[tilespmem:$0x13400] =	vst v63  }
0x24: {  	s11 =	simm.s32 $0x200  }
0x25: {  	[tilespmem:s24], [sflag:$0x3] =	stream.indirect.gather [hbm4b:s3+s16], $0x40, s11, s16, $0xb8;
	[tilespmem:$0x13400] =	vst v63  }
0x26: {  	s12 =	simm.s32 $0x280  }
0x27: {  	[tilespmem:s26], [sflag:$0x3] =	stream.indirect.gather [hbm4b:s3+s16], $0x40, s12, s16, $0xb8;
	[tilespmem:$0x13400] =	vst v63  }
0x28: {  	_ =	swait.ge [sflag:s28], $0x2000  }
0x29: {  	[sflag:s28] =	ssyncset.done $0x0  }
0x2a: {  	[sflag:s28] =	ssyncadd.s32 $0xFFFFE000  }
0x2b: {  	_ =	swait.ge [sflag:s28], $0x2000  }
0x2c: {  	[sflag:s28] =	ssyncset.done $0x0  }
0x2d: {  	s14 =	rddreg [dreg:$0x4];
	[sflag:s28] =	ssyncadd.s32 $0xFFFFE000  }
0x2e: {  	[hbm4b:s14+s29] =	stream.strided.scatter [tilespmem:s17], [sflag:$0x5], $0x4000, s16, s29, $0x38;
	[tilespmem:$0x13400] =	vst v63  }
0x2f: {  	s7 =	simm.s32 $0x300  }
0x30: {  	[tilespmem:s31], [sflag:$0x4] =	stream.indirect.gather [hbm4b:s3+s16], $0x40, s7, s16, $0xb8;
	[tilespmem:$0x13400] =	vst v63  }
0x31: {  	s8 =	simm.s32 $0x380  }
0x32: {  	[tilespmem:s0], [sflag:$0x4] =	stream.indirect.gather [hbm4b:s3+s16], $0x40, s8, s16, $0xb8;
	[tilespmem:$0x13400] =	vst v63  }
0x33: {  	_ =	swait.ge [sflag:s19], $0x2000  }
0x34: {  	[sflag:s19] =	ssyncset.done $0x0  }
0x35: {  	[sflag:s19] =	ssyncadd.s32 $0xFFFFE000  }
0x36: {  	_ =	swait.ge [sflag:s19], $0x2000  }
0x37: {  	[sflag:s19] =	ssyncset.done $0x0  }
0x38: {  	s9 =	rddreg [dreg:$0x5];
	[sflag:s19] =	ssyncadd.s32 $0xFFFFE000  }
0x39: {  	[hbm4b:s9+s29] =	stream.strided.scatter [tilespmem:s20], [sflag:$0x6], $0x4000, s16, s29, $0x38;
	[tilespmem:$0x13400] =	vst v63  }
0x3a: {  	_ =	swait.ge [sflag:s21], $0x4000  }
0x3b: {  	[sflag:s21] =	ssyncset.done $0x0  }
0x3c: {  	s10 =	simm.s32 $0x400;
	[sflag:s21] =	ssyncadd.s32 $0xFFFFC000  }
0x3d: {  	[tilespmem:s17], [sflag:$0x1] =	stream.indirect.gather [hbm4b:s3+s16], $0x40, s10, s16, $0xb8;
	[tilespmem:$0x13400] =	vst v63  }
0x3e: {  	s11 =	simm.s32 $0x480  }
0x3f: {  	[tilespmem:s18], [sflag:$0x1] =	stream.indirect.gather [hbm4b:s3+s16], $0x40, s11, s16, $0xb8;
	[tilespmem:$0x13400] =	vst v63  }
0x40: {  	_ =	swait.ge [sflag:s23], $0x2000  }
0x41: {  	[sflag:s23] =	ssyncset.done $0x0  }
0x42: {  	[sflag:s23] =	ssyncadd.s32 $0xFFFFE000  }
0x43: {  	_ =	swait.ge [sflag:s23], $0x2000  }
0x44: {  	[sflag:s23] =	ssyncset.done $0x0  }
0x45: {  	[sflag:s23] =	ssyncadd.s32 $0xFFFFE000  }
0x46: {  	[hbm4b:s13+s29] =	stream.strided.scatter [tilespmem:s24], [sflag:$0x7], $0x4000, s16, s29, $0x38;
	[tilespmem:$0x13400] =	vst v63  }
0x47: {  	_ =	swait.ge [sflag:s25], $0x4000  }
0x48: {  	[sflag:s25] =	ssyncset.done $0x0  }
0x49: {  	s12 =	simm.s32 $0x500;
	[sflag:s25] =	ssyncadd.s32 $0xFFFFC000  }
0x4a: {  	[tilespmem:s20], [sflag:$0x2] =	stream.indirect.gather [hbm4b:s3+s16], $0x40, s12, s16, $0xb8;
	[tilespmem:$0x13400] =	vst v63  }
0x4b: {  	s14 =	simm.s32 $0x580  }
0x4c: {  	[tilespmem:s22], [sflag:$0x2] =	stream.indirect.gather [hbm4b:s3+s16], $0x40, s14, s16, $0xb8;
	[tilespmem:$0x13400] =	vst v63  }
0x4d: {  	_ =	swait.ge [sflag:s30], $0x2000  }
0x4e: {  	[sflag:s30] =	ssyncset.done $0x0  }
0x4f: {  	[sflag:s30] =	ssyncadd.s32 $0xFFFFE000  }
0x50: {  	_ =	swait.ge [sflag:s30], $0x2000  }
0x51: {  	[sflag:s30] =	ssyncset.done $0x0  }
0x52: {  	s11 =	rddreg [dreg:$0xa];
	[sflag:s30] =	ssyncadd.s32 $0xFFFFE000  }
0x53: {  	[hbm4b:s11+s29] =	stream.strided.scatter [tilespmem:s31], [sflag:$0x8], $0x4000, s16, s29, $0x38;
	[tilespmem:$0x13400] =	vst v63  }
0x54: {  	_ =	swait.ge [sflag:s1], $0x4000  }
0x55: {  	[sflag:s1] =	ssyncset.done $0x0  }
0x56: {  	s7 =	simm.s32 $0x600;
	[sflag:s1] =	ssyncadd.s32 $0xFFFFC000  }
0x57: {  	[tilespmem:s24], [sflag:$0x3] =	stream.indirect.gather [hbm4b:s3+s16], $0x40, s7, s16, $0xb8;
	[tilespmem:$0x13400] =	vst v63  }
0x58: {  	s8 =	simm.s32 $0x680  }
0x59: {  	[tilespmem:s26], [sflag:$0x3] =	stream.indirect.gather [hbm4b:s3+s16], $0x40, s8, s16, $0xb8;
	[tilespmem:$0x13400] =	vst v63  }
0x5a: {  	_ =	swait.ge [sflag:s28], $0x2000  }
0x5b: {  	[sflag:s28] =	ssyncset.done $0x0  }
0x5c: {  	[sflag:s28] =	ssyncadd.s32 $0xFFFFE000  }
0x5d: {  	_ =	swait.ge [sflag:s28], $0x2000  }
0x5e: {  	s10 =	rddreg [dreg:$0x9]  }
0x5f: {  	[sflag:s28] =	ssyncset.done $0x0;
	s9 =	sshrl.u32 s10, $0x3  }
0x60: {  	[sflag:s28] =	ssyncadd.s32 $0xFFFFE000;
	s6 =	sadd.s32 s4, s9  }
0x61: {  	[hbm4b:s6+s29] =	stream.strided.scatter [tilespmem:s17], [sflag:$0x5], $0x4000, s16, s29, $0x38;
	[tilespmem:$0x13400] =	vst v63  }
0x62: {  	_ =	swait.ge [sflag:s2], $0x4000  }
0x63: {  	[sflag:s2] =	ssyncset.done $0x0  }
0x64: {  	s12 =	simm.s32 $0x700;
	[sflag:s2] =	ssyncadd.s32 $0xFFFFC000  }
0x65: {  	[tilespmem:s31], [sflag:$0x4] =	stream.indirect.gather [hbm4b:s3+s16], $0x40, s12, s16, $0xb8;
	[tilespmem:$0x13400] =	vst v63  }
0x66: {  	s14 =	simm.s32 $0x780  }
0x67: {  	[tilespmem:s0], [sflag:$0x4] =	stream.indirect.gather [hbm4b:s3+s16], $0x40, s14, s16, $0xb8;
	[tilespmem:$0x13400] =	vst v63  }
0x68: {  	_ =	swait.ge [sflag:s19], $0x2000  }
0x69: {  	[sflag:s19] =	ssyncset.done $0x0  }
0x6a: {  	[sflag:s19] =	ssyncadd.s32 $0xFFFFE000  }
0x6b: {  	s7 =	simm.s32 $0x1000;
	s8 =	sadd.s32 $0x4000, s13;
	_ =	swait.ge [sflag:s19], $0x2000  }
0x6c: {  	s10 =	sadd.s32 $0x20000, s10;
	s9 =	sadd.s32 $0x4000, s15;
	[sflag:s19] =	ssyncset.done $0x0  }
0x6d: {  	s6 =	sadd.s32 $0x4000, s11;
	s14 =	smov.u32 s15;
	[sflag:s19] =	ssyncadd.s32 $0xFFFFE000  }
.LBB2_2:
0x6e: {  	[hbm4b:s14+s29] =	stream.strided.scatter [tilespmem:s20], [sflag:$0x6], $0x4000, s16, s29, $0x38;
	[tilespmem:$0x13400] =	vst v63  }
0x6f: {  	s11 =	smov.u32 s7;
	s14 =	smov.u32 s9  }
0x70: {  	p0 =	sne.s32 s7, $0xB000;
	s7 =	sadd.s32 $0x1000, s7;
	_ =	swait.ge [sflag:s21], $0x4000  }
0x71: {  	s11 =	sshra.s32 s11, $0x2;
	[sflag:s21] =	ssyncset.done $0x0  }
0x72: {  	s12 =	sadd.s32 $0x400, s11;
	[sflag:s21] =	ssyncadd.s32 $0xFFFFC000  }
0x73: {  	[tilespmem:s17], [sflag:$0x1] =	stream.indirect.gather [hbm4b:s3+s16], $0x40, s12, s16, $0xb8;
	[tilespmem:$0x13400] =	vst v63  }
0x74: {  	s12 =	sadd.s32 $0x480, s11  }
0x75: {  	[tilespmem:s18], [sflag:$0x1] =	stream.indirect.gather [hbm4b:s3+s16], $0x40, s12, s16, $0xb8;
	[tilespmem:$0x13400] =	vst v63  }
0x76: {  	_ =	swait.ge [sflag:s23], $0x2000  }
0x77: {  	[sflag:s23] =	ssyncset.done $0x0  }
0x78: {  	[sflag:s23] =	ssyncadd.s32 $0xFFFFE000  }
0x79: {  	_ =	swait.ge [sflag:s23], $0x2000  }
0x7a: {  	[sflag:s23] =	ssyncset.done $0x0  }
0x7b: {  	[sflag:s23] =	ssyncadd.s32 $0xFFFFE000  }
0x7c: {  	[hbm4b:s8+s29] =	stream.strided.scatter [tilespmem:s24], [sflag:$0x7], $0x4000, s16, s29, $0x38;
	[tilespmem:$0x13400] =	vst v63  }
0x7d: {  	_ =	swait.ge [sflag:s25], $0x4000  }
0x7e: {  	[sflag:s25] =	ssyncset.done $0x0  }
0x7f: {  	s12 =	sadd.s32 $0x500, s11;
	[sflag:s25] =	ssyncadd.s32 $0xFFFFC000  }
0x80: {  	[tilespmem:s20], [sflag:$0x2] =	stream.indirect.gather [hbm4b:s3+s16], $0x40, s12, s16, $0xb8;
	[tilespmem:$0x13400] =	vst v63  }
0x81: {  	s12 =	sadd.s32 $0x580, s11  }
0x82: {  	[tilespmem:s22], [sflag:$0x2] =	stream.indirect.gather [hbm4b:s3+s16], $0x40, s12, s16, $0xb8;
	[tilespmem:$0x13400] =	vst v63  }
0x83: {  	_ =	swait.ge [sflag:s30], $0x2000  }
0x84: {  	[sflag:s30] =	ssyncset.done $0x0  }
0x85: {  	[sflag:s30] =	ssyncadd.s32 $0xFFFFE000  }
0x86: {  	_ =	swait.ge [sflag:s30], $0x2000  }
0x87: {  	[sflag:s30] =	ssyncset.done $0x0  }
0x88: {  	[sflag:s30] =	ssyncadd.s32 $0xFFFFE000  }
0x89: {  	[hbm4b:s6+s29] =	stream.strided.scatter [tilespmem:s31], [sflag:$0x8], $0x4000, s16, s29, $0x38;
	[tilespmem:$0x13400] =	vst v63  }
0x8a: {  	_ =	swait.ge [sflag:s1], $0x4000  }
0x8b: {  	[sflag:s1] =	ssyncset.done $0x0  }
0x8c: {  	s12 =	sadd.s32 $0x600, s11;
	[sflag:s1] =	ssyncadd.s32 $0xFFFFC000  }
0x8d: {  	[tilespmem:s24], [sflag:$0x3] =	stream.indirect.gather [hbm4b:s3+s16], $0x40, s12, s16, $0xb8;
	[tilespmem:$0x13400] =	vst v63  }
0x8e: {  	s12 =	sadd.s32 $0x680, s11  }
0x8f: {  	[tilespmem:s26], [sflag:$0x3] =	stream.indirect.gather [hbm4b:s3+s16], $0x40, s12, s16, $0xb8;
	[tilespmem:$0x13400] =	vst v63  }
0x90: {  	_ =	swait.ge [sflag:s28], $0x2000  }
0x91: {  	[sflag:s28] =	ssyncset.done $0x0  }
0x92: {  	[sflag:s28] =	ssyncadd.s32 $0xFFFFE000  }
0x93: {  	_ =	swait.ge [sflag:s28], $0x2000  }
0x94: {  	s12 =	sshrl.u32 s10, $0x3;
	[sflag:s28] =	ssyncset.done $0x0  }
0x95: {  	s12 =	sadd.s32 s4, s12;
	[sflag:s28] =	ssyncadd.s32 $0xFFFFE000  }
0x96: {  	[hbm4b:s12+s29] =	stream.strided.scatter [tilespmem:s17], [sflag:$0x5], $0x4000, s16, s29, $0x38;
	[tilespmem:$0x13400] =	vst v63  }
0x97: {  	_ =	swait.ge [sflag:s2], $0x4000  }
0x98: {  	[sflag:s2] =	ssyncset.done $0x0  }
0x99: {  	s12 =	sadd.s32 $0x700, s11;
	[sflag:s2] =	ssyncadd.s32 $0xFFFFC000  }
0x9a: {  	[tilespmem:s31], [sflag:$0x4] =	stream.indirect.gather [hbm4b:s3+s16], $0x40, s12, s16, $0xb8;
	[tilespmem:$0x13400] =	vst v63  }
0x9b: {  	s11 =	sadd.s32 $0x780, s11  }
0x9c: {  	[tilespmem:s0], [sflag:$0x4] =	stream.indirect.gather [hbm4b:s3+s16], $0x40, s11, s16, $0xb8;
	[tilespmem:$0x13400] =	vst v63  }
0x9d: {  	_ =	swait.ge [sflag:s19], $0x2000  }
.Ltmp0:
0x9e: {  	[sflag:s19] =	ssyncset.done $0x0;
	(pc) =	sbr.rel @p0 .LBB2_2-.Ltmp0, $4  }
0x9f: {  	[sflag:s19] =	ssyncadd.s32 $0xFFFFE000  }
0xa0: {  	_ =	swait.ge [sflag:s19], $0x2000  }
0xa1: {  	s9 =	sadd.s32 $0x4000, s9;
	s8 =	sadd.s32 $0x4000, s8;
	[sflag:s19] =	ssyncset.done $0x0  }
0xa2: {  	s6 =	sadd.s32 $0x4000, s6;
	s10 =	sadd.s32 $0x20000, s10;
	[sflag:s19] =	ssyncadd.s32 $0xFFFFE000  }
0xa3: {  	[hbm4b:s14+s29] =	stream.strided.scatter [tilespmem:s20], [sflag:$0x6], $0x4000, s16, s29, $0x38;
	[tilespmem:$0x13400] =	vst v63  }
0xa4: {  	_ =	swait.ge [sflag:s23], $0x2000  }
0xa5: {  	[sflag:s23] =	ssyncset.done $0x0  }
0xa6: {  	[sflag:s23] =	ssyncadd.s32 $0xFFFFE000  }
0xa7: {  	_ =	swait.ge [sflag:s23], $0x2000  }
0xa8: {  	[sflag:s23] =	ssyncset.done $0x0  }
0xa9: {  	s6 =	rddreg [dreg:$0x6];
	[sflag:s23] =	ssyncadd.s32 $0xFFFFE000  }
0xaa: {  	[hbm4b:s6+s29] =	stream.strided.scatter [tilespmem:s24], [sflag:$0x7], $0x4000, s16, s29, $0x38;
	[tilespmem:$0x13400] =	vst v63  }
0xab: {  	_ =	swait.ge [sflag:s30], $0x2000  }
0xac: {  	[sflag:s30] =	ssyncset.done $0x0  }
0xad: {  	[sflag:s30] =	ssyncadd.s32 $0xFFFFE000  }
0xae: {  	_ =	swait.ge [sflag:s30], $0x2000  }
0xaf: {  	[sflag:s30] =	ssyncset.done $0x0  }
0xb0: {  	s12 =	rddreg [dreg:$0x7];
	[sflag:s30] =	ssyncadd.s32 $0xFFFFE000  }
0xb1: {  	[hbm4b:s12+s29] =	stream.strided.scatter [tilespmem:s31], [sflag:$0x8], $0x4000, s16, s29, $0x38;
	[tilespmem:$0x13400] =	vst v63  }
0xb2: {  	_ =	swait.ge [sflag:s21], $0x4000  }
0xb3: {  	[sflag:s21] =	ssyncset.done $0x0  }
0xb4: {  	[sflag:s21] =	ssyncadd.s32 $0xFFFFC000  }
0xb5: {  	_ =	swait.ge [sflag:s25], $0x4000  }
0xb6: {  	[sflag:s25] =	ssyncset.done $0x0  }
0xb7: {  	[sflag:s25] =	ssyncadd.s32 $0xFFFFC000  }
0xb8: {  	_ =	swait.ge [sflag:s1], $0x4000  }
0xb9: {  	[sflag:s1] =	ssyncset.done $0x0  }
0xba: {  	[sflag:s1] =	ssyncadd.s32 $0xFFFFC000  }
0xbb: {  	_ =	swait.ge [sflag:s2], $0x4000  }
0xbc: {  	s5 =	sadd.s32 $0x1, s5;
	s14 =	rddreg [dreg:$0x8]  }
0xbd: {  	p0 =	sne.s32 s5, s14  }
.Ltmp1:
0xbe: {  	_ = 	snop;
	(pc) =	sbr.rel @p0 .LBB2_1-.Ltmp1, $3  }
0xbf: {  	_ =	sdelay $0x1  }
0xc0: {  	[sflag:s2] =	ssyncset.done $0x0  }
0xc1: {  	[sflag:s2] =	ssyncadd.s32 $0xFFFFC000  }
0xc2: {  	_ =	sfence.sel $0x180000  }
0xc3: {  	[bflag:$0x0] =	sbarrier.arrive $0xFFFF  }
0xc4: {  	_ =	strace $0x90000047  }
0xc5: {  	s0 =	stileid.u32;
	[bflag:$0x2] =	sbarrier.arrive $0xFFFF  }
0xc6: {  	p0 =	sne.s32 s0, $0x0;
	s0 =	rddreg [dreg:$0x2]  }
0xc7: {  	s0 =	sadd.s32 @!p0 $0x100000, s0  }
0xc8: {  	[sflag:s0] =	ssyncadd.tile.s32 @!p0 $0x1;
	_ =	shalt  }
.Lfunc_end2:
_tile_overlayer_lowered:
.L_overlay_start_2:
0xc9: {  	(tag) =	ssettag $0x2  }
0xca: {  	s0 =	rddreg [dreg:$0x0];
	s2 =	stileid.u32  }
0xcb: {  	s1 =	rddreg [dreg:$0x1];
	p0 =	sne.s32 s2, $0x0  }
0xcc: {  	s3 =	rddreg [dreg:$0x2];
	[bflag:$0x3] =	sbarrier.arrive $0xFFFF;
	s2 =	simm.s32 @!p0 $0x1C09  }
0xcd: {  	[timem:s3], [sflag:s2] =	dma.local @!p0 [hbm:s0], s1  }
0xce: {  	s0 =	simm.s32 @!p0 $0x9  }
0xcf: {  	_ =	swait.ge @!p0 [sflag:s0], s1  }
0xd0: {  	s1 =	ssub.s32 @!p0 $0x0, s1;
	[sflag:s0] =	ssyncset.done @!p0 $0x0  }
0xd1: {  	[sflag:s0] =	ssyncadd.s32 @!p0 s1  }
0xd2: {  	[bflag:$0x3] =	sbarrier.arrive $0xFFFF  }
0xd3: {  	_ =	shalt  }

// kernel: sparse-core-data-format-call.cloned.1.call-start
scs
called_computation_lowered:
.L_overlay_start_0:
0x0: {  	s2 =	sld [smem:$0x3FD9]  }
0x1: {  	s3 =	sld [smem:$0x3FFE];
	_ =	sdelay $0x1  }
0x2: {  	s1 =	srdreg.scid  }
0x3: {  	s0 =	sand.u32 $0x1, s1  }
0x4: {  	s18 =	sshll.u32 s0, $0xA;
	s2 =	sadd.s32 s3, s2  }
0x5: {  	s2 =	sadd.s32 s2, s18  }
0x6: {  	[smem:$0x3FC6] =	sst s2  }
0x7: {  	_ = 	snop  }
0x8: {  	s2 =	sld [smem:$0x3FD0];
	(tm) =	ssettm $0x1  }
0x9: {  	s19 =	sld [smem:$0x3FFB];
	_ =	sdelay $0x3  }
0xa: {  	_ =	strace s19  }
0xb: {  	s3 =	sld [smem:$0x3FFC];
	_ =	sdelay $0x3  }
0xc: {  	_ =	strace s3  }
0xd: {  	s3 =	sld [smem:$0x3FFD];
	_ =	sdelay $0x3  }
0xe: {  	_ =	strace s3  }
0xf: {  	_ =	strace $0x8FFFFFFF  }
0x10: {  	s20 =	sld [smem:$0x3FDB];
	_ =	sdelay $0x1  }
0x11: {  	s4 =	simm.s32 $_scs_section_size  }
0x12: {  	s5 =	simm.s32 $_size__tile_overlayer_lowered;
	s6 =	simm.s32 $_tile_overlayer_lowered  }
0x13: {  	s23 =	simm.s32 $0x1BFF;
	s22 =	sshll.u32 s6, $0x1;
	s3 =	sadd.s32 s4, s20  }
0x14: {  	s7 =	simm.s32 $0x0;
	s21 =	sshll.u32 s5, $0x1;
	s5 =	sadd.s32 s22, s3  }
0x15: {  	[timem:s7], [sflag:s23] =	dma.local [hbm:s5], s21  }
0x16: {  	_ =	swait.ge [sflag:s23], s21  }
0x17: {  	s4 =	ssub.s32 $0x0, s21;
	[sflag:s23] =	ssyncset.done $0x0  }
0x18: {  	[sflag:s23] =	ssyncadd.s32 s4;
	_ =	sdelay $0x1  }
0x19: {  	s24 =	simm.s32 $0x1B8B  }
0x1a: {  	_ =	swait.ge [sflag:s24], $0x1  }
0x1b: {  	[sflag:s24] =	ssyncset.done $0x0  }
0x1c: {  	s26 =	simm.s32 $0x1B8E;
	s25 =	sld [smem:$0x3FFE];
	[sflag:s24] =	ssyncadd.s32 $0xFFFFFFFF  }
0x1d: {  	s27 =	simm.s32 $execute0_lowered;
	[smem:$0x3FD2] =	sst s26  }
0x1e: {  	s5 =	sshll.u32 s27, $0x1;
	_ =	strace $0x80000049;
	[dreg:$0x1] =	wrdreg $0xFFFFFFFF  }
0x1f: {  	s28 =	simm.s32 $_size_execute0_lowered;
	s3 =	sadd.s32 s3, s5;
	[dreg:$0x0] =	wrdreg $0x0  }
0x20: {  	s5 =	sshll.u32 s28, $0x1;
	[dreg:$0x2] =	wrdreg s3  }
0x21: {  	[dreg:$0x3] =	wrdreg s5  }
0x22: {  	[dreg:$0x4] =	wrdreg $0xC0  }
0x23: {  	_ =	task [dreg:s7], $0x5FFFF  }
0x24: {  	[dreg:$0x1] =	wrdreg $0xFFFFFFFF  }
0x25: {  	[dreg:$0x0] =	wrdreg $0x60  }
0x26: {  	[dreg:$0x2] =	wrdreg s25  }
0x27: {  	[dreg:$0x3] =	wrdreg s2  }
0x28: {  	[dreg:$0x4] =	wrdreg $0x9  }
0x29: {  	_ =	task.clear_ibuf [dreg:s7], $0x5FFFF;
	_ =	strace $0x90000049  }
0x2a: {  	s29 =	simm.s32 $0x9;
	_ =	strace $0x8000004B  }
0x2b: {  	_ =	swait.ge [sflag:s29], $0x1  }
0x2c: {  	[sflag:s29] =	ssyncadd.s32 $0xFFFFFFFF  }
0x2d: {  	_ =	strace $0x9000004B  }
0x2e: {  	_ =	sfence  }
0x2f: {  	s30 =	sld [smem:$0x0];
	_ =	sdelay $0x2  }
0x30: {  	s31 =	sshll.u32 s1, $0xD;
	s1 =	sshrl.u32 s1, $0x2  }
0x31: {  	s3 =	sand.u32 $0x4000, s31;
	s1 =	sadd.s32 s1, s30  }
0x32: {  	s0 =	sor.u32 s3, s0;
	s1 =	sshll.u32 s1, $0x11  }
0x33: {  	s0 =	sor.u32 s1, s0  }
0x34: {  	s0 =	sadd.s32 $0x8F2B, s0  }
0x35: {  	[sflag:s0] =	ssyncadd.remote.s32 $0x1  }
0x36: {  	_ =	sfence.sel $0xFFFF  }
0x37: {  	[dreg:$0x0] =	wrdreg $0xFFFFFFFF;
	(pc) =	sbr.abs _section_cstart, $3  }
0x38: {  	[dreg:$0x1] =	wrdreg $0xFFFFFFFF  }
0x39: {  	_ =	task.clear_ibuf [dreg:s7], $0x2FFFF;
	_ =	strace $0x9FFFFFFF  }
0x3a: {  	(tm) =	ssettm $0x7FFFFFFF  }
0x3b: {  	_ =	shalt  }
tec
execute0_lowered:
.L_overlay_start_1:
0x0: {  	(tag) =	ssettag $0x1  }
0x1: {  	s0 =	srdreg.scid  }
0x2: {  	s1 =	sshll.u32 s0, $0x4  }
0x3: {  	s0 =	stileid.u32;
	s1 =	sand.u32 $0x10, s1  }
0x4: {  	s1 =	sor.u32 s0, s1  }
0x5: {  	s6 =	rddreg [dreg:$0x0];
	s4 =	simm.s32 $0x1;
	s2 =	sshll.u32 s1, $0x7  }
0x6: {  	s7 =	simm.s32 $0x2;
	s12 =	simm.s32 $0x0;
	s1 =	ssub.s32 $0x4000, s2  }
0x7: {  	s8 =	simm.s32 $0x20000;
	s13 =	simm.s32 $0x0;
	s3 =	sand.u32 $0xF80, s1  }
0x8: {  	s9 =	simm.s32 $0x0;
	s5 =	sshrl.u32 s1, $0xC;
	p0 =	sne.s32 s3, $0x0  }
.Ltmp0:
0x9: {  	s1 =	rddreg [dreg:$0x2];
	s4 =	simm.s32 @!p0 $0x0;
	(pc) =	sbr.rel .LBB1_1-.Ltmp0, $4  }
0xa: {  	s11 =	simm.s32 $0x0;
	s3 =	rddreg [dreg:$0x1];
	s5 =	sadd.s32 s4, s5  }
0xb: {  	_ =	strace $0x8000004A;
	s4 =	simm.s32 $0x1;
	s5 =	smul.u32 $0x1A, s5  }
0xc: {  	s6 =	sadd.s32 $0x680A00, s6;
	s10 =	smov.u32 s2;
	[sflag:s4] =	ssyncpa.u1 $0x0  }
0xd: {  	p0 =	por $0x0, $0x0;
	[sflag:s7] =	ssyncpa.u1 $0x0;
	s7 =	sor.u32 $0x1, s5  }
.LBB1_4:
0xe: {  	s16 =	sshll.u32 s13, $0x3;
	s17 =	sand.u32 $0x78, s13  }
0xf: {  	s30 =	sand.u32 $0x1F800, s13;
	s12 =	sshll.u32 s12, $0x11;
	s16 =	sand.u32 $0x3C00, s16  }
0x10: {  	[tilespmem:s15+$0x810 ss:$0x81] =	vst.msk $0xffff, v2;
	s31 =	sand.u32 $0x7, s13;
	s16 =	sor.u32 s17, s16;
	s17 =	sadd.s32 s3, s30  }
0x11: {  	[tilespmem:s15+$0x1020 ss:$0x81] =	vst.msk $0xffff, v0;
	s13 =	sshll.u32 s31, $0x12;
	s12 =	sadd.s32 s12, s17;
	s16 =	sshrl.u32 s16, $0x3  }
0x12: {  	[tilespmem:s15+$0x0 ss:$0x81] =	vst.msk $0xffff, v1;
	s13 =	sor.u32 $0x400, s13;
	s12 =	sadd.s32 s16, s12  }
0x13: {  	[hbm4b:s12+s13] =	stream.strided.scatter [tilespmem:s14], [sflag:$0x2], $0x2000, s8, s13, $0x20;
	[tilespmem:$0x8080] =	vst v63  }
.LBB1_5:
0x14: {  	s14 =	sadd.s32 $0x1, s9  }
0x15: {  	s12 =	sadd.s32 $0x1000, s10;
	s16 =	smov.u32 s10;
	p2 =	sgt.s32 s14, $0x19  }
0x16: {  	s16 =	smov.u32 @p2 s12  }
0x17: {  	s14 =	simm.s32 @p2 $0x0;
	p2 =	sgt.s32 s16, $0x3FFF  }
0x18: {  	s16 =	smov.u32 @p2 s2;
	p2 =	sne.s32 s11, s7  }
.Ltmp1:
0x19: {  	p1 =	slt.u32 s11, $0x2;
	(pc) =	sbr.rel @!p2 .LBB1_6-.Ltmp1, $4  }
0x1a: {  	s15 =	simm.s32 @!p1 $0x2  }
0x1b: {  	s13 =	smov.u32 s10;
	p0 =	por !p0, !p0;
	_ =	swait.ge @!p1 [sflag:s15], $0x2000  }
0x1c: {  	s12 =	smov.u32 s9;
	[sflag:s15] =	ssyncset.done @!p1 $0x0;
	s9 =	smov.u32 s14  }
0x1d: {  	s11 =	sadd.s32 $0x1, s11;
	[sflag:s15] =	ssyncadd.s32 @!p1 $0xFFFFE000;
	s10 =	smov.u32 s16  }
.LBB1_1:
0x1e: {  	p1 =	sge.u32 s11, s5  }
0x1f: {  	s31 =	sadd.s32 $0xFFFFFFFF, s11;
	s14 =	sxor.u32 @!p1 $0xFFFFFFFF, s11  }
0x20: {  	s15 =	sshll.u32 @!p1 s10, $0x9;
	s16 =	sshll.u32 @!p1 s9, $0x4;
	s17 =	simm.s32 @!p1 $0x1000  }
0x21: {  	s14 =	sshll.u32 @!p1 s14, $0xD;
	s16 =	sand.u32 @!p1 $0x1F0, s16;
	s15 =	sadd.s32 @!p1 s6, s15  }
0x22: {  	s14 =	sand.u32 @!p1 $0x2000, s14;
	s15 =	sadd.s32 @!p1 s16, s15;
	s16 =	simm.s32 @!p1 $0x40  }
0x23: {  	[tilespmem:s14], [sflag:$0x1] =	stream.strided.gather @!p1 [hbm4b:s15+s16], $0x2000, s17, s16, $0x38;
	[tilespmem:$0x8080] =	vst v63  }
0x24: {  	p1 =	sge.u32 s31, s5  }
.Ltmp2:
0x25: {  	_ = 	snop;
	(pc) =	sbr.rel @p1 .LBB1_5-.Ltmp2, $1  }
0x26: {  	_ =	sdelay $0x3  }
0x27: {  	s14 =	simm.s32 $0x1  }
0x28: {  	_ =	swait.ge [sflag:s4], $0x2000;
	s14 =	simm.s32 @!p0 $0x0  }
0x29: {  	[sflag:s4] =	ssyncset.done $0x0;
	s15 =	sshll.u32 s14, $0xD  }
0x2a: {  	[sflag:s4] =	ssyncadd.s32 $0xFFFFE000;
	s18 =	sor.u32 $0x20, s15  }
0x2b: {  	s14 =	smul.u32 $0x8100, s14;
	v3 =	vld [tilespmem:s18+$0x10]  }
0x2c: {  	s30 =	sand.u32 $0x1, s11;
	v2 =	vld [tilespmem:s18+$0xFFFFFFF0]  }
0x2d: {  	s15 =	smul.u32 $0x8100, s30;
	s14 =	sshrl.u32 s14, $0x2;
	v0 =	vld [tilespmem:s18+$0x0]  }
0x2e: {  	v1 =	vld [tilespmem:s18+$0xFFFFFFE0];
	s16 =	sor.u32 $0x4000, s14  }
0x2f: {  	s31 =	sshrl.u32 s15, $0x2;
	s15 =	sadd.s32 $0x0, s16  }
0x30: {  	s17 =	simm.s32 $0x4;
	s18 =	sadd.s32 $0x40, s18;
	s14 =	sor.u32 $0x4000, s31;
	[tilespmem:s15+$0x1830 ss:$0x81] =	vst.msk $0xffff, v3  }
.LBB1_3:
0x31: {  	v3 =	vld [tilespmem:s18+$0x10];
	p1 =	sne.s32 s17, $0x1FC;
	[tilespmem:s15+$0x810 ss:$0x81] =	vst.msk $0xffff, v2;
	s19 =	smov.u32 s17;
	s17 =	sadd.s32 $0x4, s17  }
.Ltmp3:
0x32: {  	v2 =	vld [tilespmem:s18+$0xFFFFFFF0];
	[tilespmem:s15+$0x1020 ss:$0x81] =	vst.msk $0xffff, v0;
	(pc) =	sbr.rel @p1 .LBB1_3-.Ltmp3, $4  }
0x33: {  	v0 =	vld [tilespmem:s18+$0x0];
	[tilespmem:s15+$0x0 ss:$0x81] =	vst.msk $0xffff, v1  }
0x34: {  	s15 =	sshra.s32 s19, $0x2;
	v1 =	vld [tilespmem:s18+$0xFFFFFFE0]  }
0x35: {  	s15 =	sadd.s32 s15, s16  }
0x36: {  	s18 =	sadd.s32 $0x40, s18;
	[tilespmem:s15+$0x1830 ss:$0x81] =	vst.msk $0xffff, v3  }
.Ltmp4:
0x37: {  	_ = 	snop;
	(pc) =	sbr.rel .LBB1_4-.Ltmp4, $1  }
0x38: {  	_ =	sdelay $0x3  }
.LBB1_6:
0x39: {  	_ =	sfence.sel $0x180000  }
0x3a: {  	s2 =	simm.s32 $0x1;
	[bflag:$0x0] =	sbarrier.arrive $0xFFFF  }
0x3b: {  	s31 =	simm.s32 $0x2;
	[sflag:s2] =	ssyncpa.u1 $0x1  }
0x3c: {  	[sflag:s31] =	ssyncpa.u1 $0x1  }
0x3d: {  	p0 =	sne.s32 s0, $0x0;
	_ =	strace $0x9000004A  }
0x3e: {  	s0 =	sadd.s32 @!p0 $0x100000, s1;
	[bflag:$0x2] =	sbarrier.arrive $0xFFFF  }
0x3f: {  	[sflag:s0] =	ssyncadd.tile.s32 @!p0 $0x1;
	_ =	shalt  }
.Lfunc_end1:
_tile_overlayer_lowered:
.L_overlay_start_2:
0x40: {  	(tag) =	ssettag $0x2  }
0x41: {  	s0 =	rddreg [dreg:$0x0];
	s2 =	stileid.u32  }
0x42: {  	s1 =	rddreg [dreg:$0x1];
	p0 =	sne.s32 s2, $0x0  }
0x43: {  	s3 =	rddreg [dreg:$0x2];
	[bflag:$0x3] =	sbarrier.arrive $0xFFFF;
	s2 =	simm.s32 @!p0 $0x1C01  }
0x44: {  	[timem:s3], [sflag:s2] =	dma.local @!p0 [hbm:s0], s1  }
0x45: {  	s0 =	simm.s32 @!p0 $0x1  }
0x46: {  	_ =	swait.ge @!p0 [sflag:s0], s1  }
0x47: {  	s1 =	ssub.s32 @!p0 $0x0, s1;
	[sflag:s0] =	ssyncset.done @!p0 $0x0  }
0x48: {  	[sflag:s0] =	ssyncadd.s32 @!p0 s1  }
0x49: {  	[bflag:$0x3] =	sbarrier.arrive $0xFFFF  }
0x4a: {  	_ =	shalt  }

</sc_bundles>
